<compile_context>
chip_gen: v7x
topology: tpu7x:2x2x1
jax: 0.10.2.dev20260603
libtpu: 0.0.44.dev20260713+nightly
codegen_flags: <defaults>
</compile_context>

<pallas_src>
import functools

import jax
import jax.numpy as jnp
from jax import lax
from jax.experimental import pallas as pl
from jax.experimental.pallas import tpu as pltpu
from jax.experimental.pallas import tpu_sc as plsc

_N_NODES = 100000
_DIM = 2
_N_ELEMS = 800000
_NPE = 4
_LANES = 16
_BLK = 128
_NBLK = _N_ELEMS // _BLK
_NC = 2
_NS = 16
_NW = _NC * _NS
_NQ = _NW // (_NPE * _DIM)
_TB = 48
_NCH = -(-(_NBLK // _NQ + 1) // _TB)


def _gather_body(conn_hbm, table_hbm, out_hbm, table_v, idx2, out2,
                 sem_i0, sem_i1, sem_o0, sem_o1):
    cid = lax.axis_index("c")
    sid = lax.axis_index("s")
    wid = sid * _NC + cid
    s = wid // (_DIM * _NQ)
    d = (wid // _NQ) % _DIM
    q = wid % _NQ
    t_base = 1562 * q + jnp.minimum(q, 2)
    n_blocks = 1563 - (q >= 2).astype(jnp.int32)

    sem_in = (sem_i0, sem_i1)
    sem_out = (sem_o0, sem_o1)

    def t0_of(j):
        return t_base + jnp.minimum(j * _TB, n_blocks - _TB)

    def in_copy(j, p):
        return pltpu.make_async_copy(
            conn_hbm.at[pl.ds(t0_of(j), _TB), pl.ds(s, 1), :],
            idx2.at[p], sem_in[p])

    def out_copy(j, p):
        return pltpu.make_async_copy(
            out2.at[p],
            out_hbm.at[pl.ds(s, 1), pl.ds(t0_of(j), _TB), pl.ds(d, 1), :],
            sem_out[p])

    pltpu.sync_copy(table_hbm.at[pl.ds(d, 1)], table_v)

    in_copy(0, 0).start()

    def pair(jj, carry):
        for p in (0, 1):
            j = 2 * jj + p

            @pl.when(j + 1 < _NCH)
            def _pf():
                in_copy(j + 1, 1 - p).start()

            in_copy(j, p).wait()

            @pl.when(j >= 2)
            def _drain():
                out_copy(j - 2, p).wait()

            def step(tb, c2):
                for u in range(_BLK // _LANES):
                    ids = idx2[p, tb, 0, pl.ds(u * _LANES, _LANES)]
                    zero16 = jnp.zeros((_LANES,), jnp.int32)
                    vals = plsc.load_gather(table_v, [zero16, ids])
                    out2[p, 0, tb, 0, pl.ds(u * _LANES, _LANES)] = vals
                return c2

            lax.fori_loop(0, _TB, step, 0)
            out_copy(j, p).start()
        return carry

    lax.fori_loop(0, _NCH // 2, pair, 0)
    jlast = _NCH - 1
    p = jlast % 2
    in_copy(jlast, p).wait()
    out_copy(jlast - 2, p).wait()
    def step_last(tb, c2):
        for u in range(_BLK // _LANES):
            ids = idx2[p, tb, 0, pl.ds(u * _LANES, _LANES)]
            zero16 = jnp.zeros((_LANES,), jnp.int32)
            vals = plsc.load_gather(table_v, [zero16, ids])
            out2[p, 0, tb, 0, pl.ds(u * _LANES, _LANES)] = vals
        return c2
    lax.fori_loop(0, _TB, step_last, 0)
    out_copy(jlast, p).start()

    out_copy(_NCH - 2, 1 - p).wait()
    out_copy(jlast, p).wait()


@jax.jit
def _grid_gather(conn_b, table_t):
    k = pl.kernel(
        _gather_body,
        out_type=jax.ShapeDtypeStruct((_NPE, _NBLK, _DIM, _BLK), jnp.float32),
        mesh=plsc.VectorSubcoreMesh(core_axis_name="c", subcore_axis_name="s"),
        scratch_types=[
            pltpu.VMEM((1, _N_NODES), jnp.float32),
            pltpu.VMEM((2, _TB, 1, _BLK), jnp.int32),
            pltpu.VMEM((2, 1, _TB, 1, _BLK), jnp.float32),
            pltpu.SemaphoreType.DMA,
            pltpu.SemaphoreType.DMA,
            pltpu.SemaphoreType.DMA,
            pltpu.SemaphoreType.DMA,
        ],
        compiler_params=pltpu.CompilerParams(
            use_tc_tiling_on_sc=False, needs_layout_passes=False
        ),
    )
    return k(conn_b, table_t)


def kernel(connectivity, nodes_free):
    conn_b = connectivity.T.reshape(_NPE, _NBLK, _BLK).transpose(1, 0, 2)
    table_t = nodes_free.T
    out_b = _grid_gather(conn_b, table_t)
    return out_b.transpose(1, 3, 0, 2).reshape(_N_ELEMS, _NPE, _DIM)

# --- scband reference (transcript-rebuilt; emitter-appended) ---
"""Pipeline reference for scband-grid-nn-2-d-80805514707680 (READ-ONLY COPY).

The authoritative reference and input builder live on the scoring server;
editing this copy changes nothing except your own understanding.
"""

import jax, jax.numpy as jnp
import numpy as np

N_NODES = 100000
N_ELEMS = 800000
NODES_PER_ELEM = 4
DIM = 2


def setup_inputs(seed: int = 0) -> dict:
    key = jax.random.key(seed)
    k1, k2 = jax.random.split(key)
    # forward arg: element connectivity, node ids in [0, N_NODES)
    connectivity = jax.random.randint(
        k1, (N_ELEMS, NODES_PER_ELEM), 0, N_NODES, dtype=jnp.int32
    )
    # learned parameter: free nodal coordinates (all nodes free; SetBCs never called,
    # so 'imposed' is empty and 'free' covers every node)
    nodes_free = jax.random.normal(k2, (N_NODES, DIM), dtype=jnp.float32)
    return {"connectivity": connectivity, "nodes_free": nodes_free}


def reference(connectivity, nodes_free):
    # nodal_coordinates = ones_like(all_nodal_coordinates)
    coords = jnp.ones_like(nodes_free)
    # free mask is all True -> scatter-overwrite the free parameters into the buffer
    free_idx = jnp.arange(nodes_free.shape[0])
    coords = coords.at[free_idx].set(nodes_free)
    # imposed set is empty -> nothing to write for ~free
    # gather per-element nodal coordinates: [N_ELEMS, NODES_PER_ELEM, DIM]
    return coords[connectivity]

if __name__ == "__main__":
    import jax
    _d = setup_inputs()
    print(jax.jit(kernel)(*tuple(_d.values())))

</pallas_src>

<mosaic_0001>
#map = affine_map<(d0, d1) -> (0, 0, 0)>
#map1 = affine_map<(d0, d1) -> (0, 0)>
#map2 = affine_map<(d0, d1) -> (0, 0, 0, 0)>
module attributes {stable_mosaic.version = 14 : i64} {
  func.func @_gather_body(%arg0: i32, %arg1: i32, %arg2: memref<6250x4x128xi32, #tpu.memory_space<hbm>>, %arg3: memref<2x100000xf32, #tpu.memory_space<hbm>>, %arg4: memref<4x6250x2x128xf32, #tpu.memory_space<hbm>>, %arg5: memref<1x100000xf32, #tpu.memory_space<vmem>>, %arg6: memref<2x48x1x128xi32, #tpu.memory_space<vmem>>, %arg7: memref<2x1x48x1x128xf32, #tpu.memory_space<vmem>>, %arg8: memref<!tpu.dma_semaphore, #tpu.memory_space<semaphore_mem>>, %arg9: memref<!tpu.dma_semaphore, #tpu.memory_space<semaphore_mem>>, %arg10: memref<!tpu.dma_semaphore, #tpu.memory_space<semaphore_mem>>, %arg11: memref<!tpu.dma_semaphore, #tpu.memory_space<semaphore_mem>>) attributes {dimension_semantics = [#tpu.dimension_semantics<core_parallel>, #tpu.dimension_semantics<subcore_parallel>], iteration_bounds = array<i64: 2, 16>, scalar_prefetch = 0 : i64, scratch_operands = 7 : i64, tpu.core_type = #tpu.core_type<sc_vector_subcore>, window_params = [{transform_indices = #map}, {transform_indices = #map1}, {transform_indices = #map2}]} {
    %mul3A = arith.constant 2 : i32
    %mul3A_0 = arith.muli %arg1, %mul3A : i32
    %add3A = arith.addi %mul3A_0, %arg0 : i32
    %jit3A = arith.constant 8 : i32
    %div3A = arith.divsi %add3A, %jit3A : i32
    %sign3A = arith.constant 0 : i32
    %sign3A_1 = arith.cmpi sgt, %add3A, %sign3A : i32
    %sign3A_2 = arith.extui %sign3A_1 : i1 to i32
    %sign3A_3 = arith.constant 0 : i32
    %sign3A_4 = arith.cmpi slt, %add3A, %sign3A_3 : i32
    %sign3A_5 = arith.extui %sign3A_4 : i1 to i32
    %sign3A_6 = arith.subi %sign3A_2, %sign3A_5 : i32
    %sign3A_7 = arith.constant 0 : i32
    %sign3A_8 = arith.cmpi sgt, %jit3A, %sign3A_7 : i32
    %sign3A_9 = arith.extui %sign3A_8 : i1 to i32
    %sign3A_10 = arith.constant 0 : i32
    %sign3A_11 = arith.cmpi slt, %jit3A, %sign3A_10 : i32
    %sign3A_12 = arith.extui %sign3A_11 : i1 to i32
    %sign3A_13 = arith.subi %sign3A_9, %sign3A_12 : i32
    %ne3A = arith.cmpi ne, %sign3A_6, %sign3A_13 : i32
    %rem3A = arith.remsi %add3A, %jit3A : i32
    %ne3A_14 = arith.constant 0 : i32
    %ne3A_15 = arith.cmpi ne, %rem3A, %ne3A_14 : i32
    %and3A = arith.andi %ne3A, %ne3A_15 : i1
    %sub3A = arith.constant 1 : i32
    %sub3A_16 = arith.subi %div3A, %sub3A : i32
    %select_n3A = arith.select %and3A, %sub3A_16, %div3A : i32
    %jit3A_17 = arith.constant 4 : i32
    %div3A_18 = arith.divsi %add3A, %jit3A_17 : i32
    %sign3A_19 = arith.constant 0 : i32
    %sign3A_20 = arith.cmpi sgt, %add3A, %sign3A_19 : i32
    %sign3A_21 = arith.extui %sign3A_20 : i1 to i32
    %sign3A_22 = arith.constant 0 : i32
    %sign3A_23 = arith.cmpi slt, %add3A, %sign3A_22 : i32
    %sign3A_24 = arith.extui %sign3A_23 : i1 to i32
    %sign3A_25 = arith.subi %sign3A_21, %sign3A_24 : i32
    %sign3A_26 = arith.constant 0 : i32
    %sign3A_27 = arith.cmpi sgt, %jit3A_17, %sign3A_26 : i32
    %sign3A_28 = arith.extui %sign3A_27 : i1 to i32
    %sign3A_29 = arith.constant 0 : i32
    %sign3A_30 = arith.cmpi slt, %jit3A_17, %sign3A_29 : i32
    %sign3A_31 = arith.extui %sign3A_30 : i1 to i32
    %sign3A_32 = arith.subi %sign3A_28, %sign3A_31 : i32
    %ne3A_33 = arith.cmpi ne, %sign3A_25, %sign3A_32 : i32
    %rem3A_34 = arith.remsi %add3A, %jit3A_17 : i32
    %ne3A_35 = arith.constant 0 : i32
    %ne3A_36 = arith.cmpi ne, %rem3A_34, %ne3A_35 : i32
    %and3A_37 = arith.andi %ne3A_33, %ne3A_36 : i1
    %sub3A_38 = arith.constant 1 : i32
    %sub3A_39 = arith.subi %div3A_18, %sub3A_38 : i32
    %select_n3A_40 = arith.select %and3A_37, %sub3A_39, %div3A_18 : i32
    %jit3A_41 = arith.constant 2 : i32
    %eq3A = arith.constant 0 : i32
    %eq3A_42 = arith.cmpi eq, %jit3A_41, %eq3A : i32
    %jit3A_43 = arith.constant 1 : i32
    %select_n3A_44 = arith.select %eq3A_42, %jit3A_43, %jit3A_41 : i32
    %rem3A_45 = arith.remsi %select_n3A_40, %select_n3A_44 : i32
    %ne3A_46 = arith.constant 0 : i32
    %ne3A_47 = arith.cmpi ne, %rem3A_45, %ne3A_46 : i32
    %lt3A = arith.constant 0 : i32
    %lt3A_48 = arith.cmpi slt, %rem3A_45, %lt3A : i32
    %lt3A_49 = arith.constant 0 : i32
    %lt3A_50 = arith.cmpi slt, %select_n3A_44, %lt3A_49 : i32
    %ne3A_51 = arith.xori %lt3A_48, %lt3A_50 : i1
    %and3A_52 = arith.andi %ne3A_51, %ne3A_47 : i1
    %add3A_53 = arith.addi %rem3A_45, %select_n3A_44 : i32
    %select_n3A_54 = arith.select %and3A_52, %add3A_53, %rem3A_45 : i32
    %jit3A_55 = arith.constant 4 : i32
    %eq3A_56 = arith.constant 0 : i32
    %eq3A_57 = arith.cmpi eq, %jit3A_55, %eq3A_56 : i32
    %jit3A_58 = arith.constant 1 : i32
    %select_n3A_59 = arith.select %eq3A_57, %jit3A_58, %jit3A_55 : i32
    %rem3A_60 = arith.remsi %add3A, %select_n3A_59 : i32
    %ne3A_61 = arith.constant 0 : i32
    %ne3A_62 = arith.cmpi ne, %rem3A_60, %ne3A_61 : i32
    %lt3A_63 = arith.constant 0 : i32
    %lt3A_64 = arith.cmpi slt, %rem3A_60, %lt3A_63 : i32
    %lt3A_65 = arith.constant 0 : i32
    %lt3A_66 = arith.cmpi slt, %select_n3A_59, %lt3A_65 : i32
    %ne3A_67 = arith.xori %lt3A_64, %lt3A_66 : i1
    %and3A_68 = arith.andi %ne3A_67, %ne3A_62 : i1
    %add3A_69 = arith.addi %rem3A_60, %select_n3A_59 : i32
    %select_n3A_70 = arith.select %and3A_68, %add3A_69, %rem3A_60 : i32
    %mul3A_71 = arith.constant 1562 : i32
    %mul3A_72 = arith.muli %mul3A_71, %select_n3A_70 : i32
    %min3A = arith.constant 2 : i32
    %min3A_73 = arith.minsi %select_n3A_70, %min3A : i32
    %add3A_74 = arith.addi %mul3A_72, %min3A_73 : i32
    %ge3A = arith.constant 2 : i32
    %ge3A_75 = arith.cmpi sge, %select_n3A_70, %ge3A : i32
    %convert_element_type3A = arith.extui %ge3A_75 : i1 to i32
    %sub3A_76 = arith.constant 1563 : i32
    %sub3A_77 = arith.subi %sub3A_76, %convert_element_type3A : i32
    "tpu.region"() ({
      %run_scoped3A = tpu.sem_alloc : memref<!tpu.dma_semaphore, #tpu.memory_space<semaphore_mem>>
      %dma_start3A_215 = arith.constant 0 : i32
      %dma_start3A_216 = tpu.memref_slice %arg3[%select_n3A_54, %dma_start3A_215] : memref<2x100000xf32, #tpu.memory_space<hbm>> -> memref<1x100000xf32, #tpu.memory_space<hbm>>
      %dma_start3A_217 = arith.constant 0 : i32
      %dma_start3A_218 = tpu.memref_slice %arg3[%select_n3A_54, %dma_start3A_217] : memref<2x100000xf32, #tpu.memory_space<hbm>> -> memref<1x100000xf32, #tpu.memory_space<hbm>>
      tpu.enqueue_dma source(%dma_start3A_218 : memref<1x100000xf32, #tpu.memory_space<hbm>>) target(%arg5 : memref<1x100000xf32, #tpu.memory_space<vmem>>) target_semaphore(%run_scoped3A : memref<!tpu.dma_semaphore, #tpu.memory_space<semaphore_mem>>)
      %dma_wait3A_219 = arith.constant 0 : i32
      %dma_wait3A_220 = tpu.memref_slice %arg3[%select_n3A_54, %dma_wait3A_219] : memref<2x100000xf32, #tpu.memory_space<hbm>> -> memref<1x100000xf32, #tpu.memory_space<hbm>>
      %dma_wait3A_221 = arith.constant 0 : i32
      %dma_wait3A_222 = tpu.memref_slice %arg3[%select_n3A_54, %dma_wait3A_221] : memref<2x100000xf32, #tpu.memory_space<hbm>> -> memref<1x100000xf32, #tpu.memory_space<hbm>>
      tpu.wait_dma2 semaphore(%run_scoped3A : memref<!tpu.dma_semaphore, #tpu.memory_space<semaphore_mem>>) src(%dma_wait3A_222 : memref<1x100000xf32, #tpu.memory_space<hbm>>) dst(%arg5 : memref<1x100000xf32, #tpu.memory_space<vmem>>)
      tpu.yield
    }) : () -> ()
    %sub3A_78 = arith.constant 48 : i32
    %sub3A_79 = arith.subi %sub3A_77, %sub3A_78 : i32
    %min3A_80 = arith.constant 0 : i32
    %min3A_81 = arith.minsi %min3A_80, %sub3A_79 : i32
    %add3A_82 = arith.addi %add3A_74, %min3A_81 : i32
    %dma_start3A = arith.constant 0 : i32
    %dma_start3A_83 = arith.constant 0 : i32
    %dma_start3A_84 = arith.constant 0 : i32
    %dma_start3A_85 = arith.constant 0 : i32
    %dma_start3A_86 = tpu.memref_slice %arg6[%dma_start3A, %dma_start3A_83, %dma_start3A_84, %dma_start3A_85] : memref<2x48x1x128xi32, #tpu.memory_space<vmem>> -> memref<1x48x1x128xi32, #tpu.memory_space<vmem>>
    %dma_start3A_87 = tpu.memref_squeeze %dma_start3A_86 : memref<1x48x1x128xi32, #tpu.memory_space<vmem>> -> memref<48x1x128xi32, #tpu.memory_space<vmem>>
    %dma_start3A_88 = arith.constant 0 : i32
    %dma_start3A_89 = tpu.memref_slice %arg2[%add3A_82, %select_n3A, %dma_start3A_88] : memref<6250x4x128xi32, #tpu.memory_space<hbm>> -> memref<48x1x128xi32, #tpu.memory_space<hbm>>
    %dma_start3A_90 = arith.constant 0 : i32
    %dma_start3A_91 = arith.constant 0 : i32
    %dma_start3A_92 = arith.constant 0 : i32
    %dma_start3A_93 = tpu.memref_slice %arg6[%dma_start3A, %dma_start3A_90, %dma_start3A_91, %dma_start3A_92] : memref<2x48x1x128xi32, #tpu.memory_space<vmem>> -> memref<1x48x1x128xi32, #tpu.memory_space<vmem>>
    %dma_start3A_94 = tpu.memref_squeeze %dma_start3A_93 : memref<1x48x1x128xi32, #tpu.memory_space<vmem>> -> memref<48x1x128xi32, #tpu.memory_space<vmem>>
    %dma_start3A_95 = arith.constant 0 : i32
    %dma_start3A_96 = tpu.memref_slice %arg2[%add3A_82, %select_n3A, %dma_start3A_95] : memref<6250x4x128xi32, #tpu.memory_space<hbm>> -> memref<48x1x128xi32, #tpu.memory_space<hbm>>
    tpu.enqueue_dma source(%dma_start3A_96 : memref<48x1x128xi32, #tpu.memory_space<hbm>>) target(%dma_start3A_94 : memref<48x1x128xi32, #tpu.memory_space<vmem>>) target_semaphore(%arg8 : memref<!tpu.dma_semaphore, #tpu.memory_space<semaphore_mem>>)
    %scan3A = arith.constant 0 : i32
    %scan3A_97 = arith.constant 0 : i32
    %scan3A_98 = arith.constant 16 : i32
    %scan3A_99 = arith.addi %scan3A_97, %scan3A_98 : i32
    %scan3A_100 = arith.constant 1 : i32
    scf.for %scan3A_215 = %scan3A_97 to %scan3A_99 step %scan3A_100  : i32 {
      %mul3A_216 = arith.constant 2 : i32
      %mul3A_217 = arith.muli %mul3A_216, %scan3A_215 : i32
      %add3A_218 = arith.constant 0 : i32
      %add3A_219 = arith.addi %mul3A_217, %add3A_218 : i32
      %add3A_220 = arith.constant 1 : i32
      %add3A_221 = arith.addi %add3A_219, %add3A_220 : i32
      %lt3A_222 = arith.constant 33 : i32
      %lt3A_223 = arith.cmpi slt, %add3A_221, %lt3A_222 : i32
      %convert_element_type3A_224 = arith.extui %lt3A_223 : i1 to i32
      %cond3A = arith.constant 0 : i32
      %cond3A_225 = arith.cmpi ne, %convert_element_type3A_224, %cond3A : i32
      scf.if %cond3A_225 {
        %add3A_347 = arith.constant 1 : i32
        %add3A_348 = arith.addi %add3A_219, %add3A_347 : i32
        %mul3A_349 = arith.constant 48 : i32
        %mul3A_350 = arith.muli %add3A_348, %mul3A_349 : i32
        %sub3A_351 = arith.constant 48 : i32
        %sub3A_352 = arith.subi %sub3A_77, %sub3A_351 : i32
        %min3A_353 = arith.minsi %mul3A_350, %sub3A_352 : i32
        %add3A_354 = arith.addi %add3A_74, %min3A_353 : i32
        %dma_start3A_355 = arith.constant 1 : i32
        %dma_start3A_356 = arith.constant 0 : i32
        %dma_start3A_357 = arith.constant 0 : i32
        %dma_start3A_358 = arith.constant 0 : i32
        %dma_start3A_359 = tpu.memref_slice %arg6[%dma_start3A_355, %dma_start3A_356, %dma_start3A_357, %dma_start3A_358] : memref<2x48x1x128xi32, #tpu.memory_space<vmem>> -> memref<1x48x1x128xi32, #tpu.memory_space<vmem>>
        %dma_start3A_360 = tpu.memref_squeeze %dma_start3A_359 : memref<1x48x1x128xi32, #tpu.memory_space<vmem>> -> memref<48x1x128xi32, #tpu.memory_space<vmem>>
        %dma_start3A_361 = arith.constant 0 : i32
        %dma_start3A_362 = tpu.memref_slice %arg2[%add3A_354, %select_n3A, %dma_start3A_361] : memref<6250x4x128xi32, #tpu.memory_space<hbm>> -> memref<48x1x128xi32, #tpu.memory_space<hbm>>
        %dma_start3A_363 = arith.constant 0 : i32
        %dma_start3A_364 = arith.constant 0 : i32
        %dma_start3A_365 = arith.constant 0 : i32
        %dma_start3A_366 = tpu.memref_slice %arg6[%dma_start3A_355, %dma_start3A_363, %dma_start3A_364, %dma_start3A_365] : memref<2x48x1x128xi32, #tpu.memory_space<vmem>> -> memref<1x48x1x128xi32, #tpu.memory_space<vmem>>
        %dma_start3A_367 = tpu.memref_squeeze %dma_start3A_366 : memref<1x48x1x128xi32, #tpu.memory_space<vmem>> -> memref<48x1x128xi32, #tpu.memory_space<vmem>>
        %dma_start3A_368 = arith.constant 0 : i32
        %dma_start3A_369 = tpu.memref_slice %arg2[%add3A_354, %select_n3A, %dma_start3A_368] : memref<6250x4x128xi32, #tpu.memory_space<hbm>> -> memref<48x1x128xi32, #tpu.memory_space<hbm>>
        tpu.enqueue_dma source(%dma_start3A_369 : memref<48x1x128xi32, #tpu.memory_space<hbm>>) target(%dma_start3A_367 : memref<48x1x128xi32, #tpu.memory_space<vmem>>) target_semaphore(%arg9 : memref<!tpu.dma_semaphore, #tpu.memory_space<semaphore_mem>>)
      } else {
      }
      %mul3A_226 = arith.constant 48 : i32
      %mul3A_227 = arith.muli %add3A_219, %mul3A_226 : i32
      %sub3A_228 = arith.constant 48 : i32
      %sub3A_229 = arith.subi %sub3A_77, %sub3A_228 : i32
      %min3A_230 = arith.minsi %mul3A_227, %sub3A_229 : i32
      %add3A_231 = arith.addi %add3A_74, %min3A_230 : i32
      %dma_wait3A_232 = arith.constant 0 : i32
      %dma_wait3A_233 = arith.constant 0 : i32
      %dma_wait3A_234 = arith.constant 0 : i32
      %dma_wait3A_235 = arith.constant 0 : i32
      %dma_wait3A_236 = tpu.memref_slice %arg6[%dma_wait3A_232, %dma_wait3A_233, %dma_wait3A_234, %dma_wait3A_235] : memref<2x48x1x128xi32, #tpu.memory_space<vmem>> -> memref<1x48x1x128xi32, #tpu.memory_space<vmem>>
      %dma_wait3A_237 = tpu.memref_squeeze %dma_wait3A_236 : memref<1x48x1x128xi32, #tpu.memory_space<vmem>> -> memref<48x1x128xi32, #tpu.memory_space<vmem>>
      %dma_wait3A_238 = arith.constant 0 : i32
      %dma_wait3A_239 = tpu.memref_slice %arg2[%add3A_231, %select_n3A, %dma_wait3A_238] : memref<6250x4x128xi32, #tpu.memory_space<hbm>> -> memref<48x1x128xi32, #tpu.memory_space<hbm>>
      %dma_wait3A_240 = arith.constant 0 : i32
      %dma_wait3A_241 = arith.constant 0 : i32
      %dma_wait3A_242 = arith.constant 0 : i32
      %dma_wait3A_243 = tpu.memref_slice %arg6[%dma_wait3A_232, %dma_wait3A_240, %dma_wait3A_241, %dma_wait3A_242] : memref<2x48x1x128xi32, #tpu.memory_space<vmem>> -> memref<1x48x1x128xi32, #tpu.memory_space<vmem>>
      %dma_wait3A_244 = tpu.memref_squeeze %dma_wait3A_243 : memref<1x48x1x128xi32, #tpu.memory_space<vmem>> -> memref<48x1x128xi32, #tpu.memory_space<vmem>>
      %dma_wait3A_245 = arith.constant 0 : i32
      %dma_wait3A_246 = tpu.memref_slice %arg2[%add3A_231, %select_n3A, %dma_wait3A_245] : memref<6250x4x128xi32, #tpu.memory_space<hbm>> -> memref<48x1x128xi32, #tpu.memory_space<hbm>>
      tpu.wait_dma2 semaphore(%arg8 : memref<!tpu.dma_semaphore, #tpu.memory_space<semaphore_mem>>) src(%dma_wait3A_246 : memref<48x1x128xi32, #tpu.memory_space<hbm>>) dst(%dma_wait3A_244 : memref<48x1x128xi32, #tpu.memory_space<vmem>>)
      %ge3A_247 = arith.constant 2 : i32
      %ge3A_248 = arith.cmpi sge, %add3A_219, %ge3A_247 : i32
      %convert_element_type3A_249 = arith.extui %ge3A_248 : i1 to i32
      %cond3A_250 = arith.constant 0 : i32
      %cond3A_251 = arith.cmpi ne, %convert_element_type3A_249, %cond3A_250 : i32
      scf.if %cond3A_251 {
        %sub3A_347 = arith.constant 2 : i32
        %sub3A_348 = arith.subi %add3A_219, %sub3A_347 : i32
        %mul3A_349 = arith.constant 48 : i32
        %mul3A_350 = arith.muli %sub3A_348, %mul3A_349 : i32
        %sub3A_351 = arith.constant 48 : i32
        %sub3A_352 = arith.subi %sub3A_77, %sub3A_351 : i32
        %min3A_353 = arith.minsi %mul3A_350, %sub3A_352 : i32
        %add3A_354 = arith.addi %add3A_74, %min3A_353 : i32
        %dma_wait3A_355 = arith.constant 0 : i32
        %dma_wait3A_356 = arith.constant 0 : i32
        %dma_wait3A_357 = arith.constant 0 : i32
        %dma_wait3A_358 = arith.constant 0 : i32
        %dma_wait3A_359 = arith.constant 0 : i32
        %dma_wait3A_360 = tpu.memref_slice %arg7[%dma_wait3A_355, %dma_wait3A_356, %dma_wait3A_357, %dma_wait3A_358, %dma_wait3A_359] : memref<2x1x48x1x128xf32, #tpu.memory_space<vmem>> -> memref<1x1x48x1x128xf32, #tpu.memory_space<vmem>>
        %dma_wait3A_361 = tpu.memref_squeeze %dma_wait3A_360 : memref<1x1x48x1x128xf32, #tpu.memory_space<vmem>> -> memref<1x48x1x128xf32, #tpu.memory_space<vmem>>
        %dma_wait3A_362 = arith.constant 0 : i32
        %dma_wait3A_363 = tpu.memref_slice %arg4[%select_n3A, %add3A_354, %select_n3A_54, %dma_wait3A_362] : memref<4x6250x2x128xf32, #tpu.memory_space<hbm>> -> memref<1x48x1x128xf32, #tpu.memory_space<hbm>>
        %dma_wait3A_364 = arith.constant 0 : i32
        %dma_wait3A_365 = tpu.memref_slice %arg4[%select_n3A, %add3A_354, %select_n3A_54, %dma_wait3A_364] : memref<4x6250x2x128xf32, #tpu.memory_space<hbm>> -> memref<1x48x1x128xf32, #tpu.memory_space<hbm>>
        %dma_wait3A_366 = arith.constant 0 : i32
        %dma_wait3A_367 = arith.constant 0 : i32
        %dma_wait3A_368 = arith.constant 0 : i32
        %dma_wait3A_369 = arith.constant 0 : i32
        %dma_wait3A_370 = tpu.memref_slice %arg7[%dma_wait3A_355, %dma_wait3A_366, %dma_wait3A_367, %dma_wait3A_368, %dma_wait3A_369] : memref<2x1x48x1x128xf32, #tpu.memory_space<vmem>> -> memref<1x1x48x1x128xf32, #tpu.memory_space<vmem>>
        %dma_wait3A_371 = tpu.memref_squeeze %dma_wait3A_370 : memref<1x1x48x1x128xf32, #tpu.memory_space<vmem>> -> memref<1x48x1x128xf32, #tpu.memory_space<vmem>>
        tpu.wait_dma2 semaphore(%arg10 : memref<!tpu.dma_semaphore, #tpu.memory_space<semaphore_mem>>) src(%dma_wait3A_371 : memref<1x48x1x128xf32, #tpu.memory_space<vmem>>) dst(%dma_wait3A_365 : memref<1x48x1x128xf32, #tpu.memory_space<hbm>>)
      } else {
      }
      %scan3A_252 = arith.constant 0 : i32
      %scan3A_253 = arith.constant 0 : i32
      %scan3A_254 = arith.constant 48 : i32
      %scan3A_255 = arith.addi %scan3A_253, %scan3A_254 : i32
      %scan3A_256 = arith.constant 1 : i32
      scf.for %scan3A_347 = %scan3A_253 to %scan3A_255 step %scan3A_256  : i32 {
        %get3A = arith.constant 0 : i32
        %get3A_348 = arith.constant 0 : i32
        %get3A_349 = arith.index_cast %get3A : i32 to index
        %get3A_350 = arith.index_cast %scan3A_347 : i32 to index
        %get3A_351 = arith.index_cast %get3A_348 : i32 to index
        %get3A_352 = arith.constant 0 : index
        %get3A_353 = tpu.vector_load %arg6[%get3A_349, %get3A_350, %get3A_351, %get3A_352] {strides = array<i32>} : memref<2x48x1x128xi32, #tpu.memory_space<vmem>>, vector<16xi32>,
        %broadcast_in_dim3A = arith.constant 0 : i32
        %broadcast_in_dim3A_354 = vector.broadcast %broadcast_in_dim3A : i32 to vector<16xi32>
        %gather3A = tpu.vector_load_idx %arg5[%broadcast_in_dim3A_354, %get3A_353] : memref<1x100000xf32, #tpu.memory_space<vmem>>[vector<16xi32>, vector<16xi32>], vector<16xf32>,
        %swap3A = arith.constant 0 : i32
        %swap3A_355 = arith.constant 0 : i32
        %swap3A_356 = arith.constant 0 : i32
        %swap3A_357 = arith.index_cast %swap3A : i32 to index
        %swap3A_358 = arith.index_cast %swap3A_355 : i32 to index
        %swap3A_359 = arith.index_cast %scan3A_347 : i32 to index
        %swap3A_360 = arith.index_cast %swap3A_356 : i32 to index
        %swap3A_361 = arith.constant 0 : index
        %swap3A_362 = tpu.vector_load %arg7[%swap3A_357, %swap3A_358, %swap3A_359, %swap3A_360, %swap3A_361] {strides = array<i32>} : memref<2x1x48x1x128xf32, #tpu.memory_space<vmem>>, vector<16xf32>,
        tpu.vector_store %arg7[%swap3A_357, %swap3A_358, %swap3A_359, %swap3A_360, %swap3A_361], %gather3A {strides = array<i32>} : memref<2x1x48x1x128xf32, #tpu.memory_space<vmem>>, vector<16xf32>,
        %get3A_363 = arith.constant 0 : i32
        %get3A_364 = arith.constant 0 : i32
        %get3A_365 = arith.index_cast %get3A_363 : i32 to index
        %get3A_366 = arith.index_cast %scan3A_347 : i32 to index
        %get3A_367 = arith.index_cast %get3A_364 : i32 to index
        %get3A_368 = arith.constant 16 : index
        %get3A_369 = tpu.vector_load %arg6[%get3A_365, %get3A_366, %get3A_367, %get3A_368] {strides = array<i32>} : memref<2x48x1x128xi32, #tpu.memory_space<vmem>>, vector<16xi32>,
        %broadcast_in_dim3A_370 = arith.constant 0 : i32
        %broadcast_in_dim3A_371 = vector.broadcast %broadcast_in_dim3A_370 : i32 to vector<16xi32>
        %gather3A_372 = tpu.vector_load_idx %arg5[%broadcast_in_dim3A_371, %get3A_369] : memref<1x100000xf32, #tpu.memory_space<vmem>>[vector<16xi32>, vector<16xi32>], vector<16xf32>,
        %swap3A_373 = arith.constant 0 : i32
        %swap3A_374 = arith.constant 0 : i32
        %swap3A_375 = arith.constant 0 : i32
        %swap3A_376 = arith.index_cast %swap3A_373 : i32 to index
        %swap3A_377 = arith.index_cast %swap3A_374 : i32 to index
        %swap3A_378 = arith.index_cast %scan3A_347 : i32 to index
        %swap3A_379 = arith.index_cast %swap3A_375 : i32 to index
        %swap3A_380 = arith.constant 16 : index
        %swap3A_381 = tpu.vector_load %arg7[%swap3A_376, %swap3A_377, %swap3A_378, %swap3A_379, %swap3A_380] {strides = array<i32>} : memref<2x1x48x1x128xf32, #tpu.memory_space<vmem>>, vector<16xf32>,
        tpu.vector_store %arg7[%swap3A_376, %swap3A_377, %swap3A_378, %swap3A_379, %swap3A_380], %gather3A_372 {strides = array<i32>} : memref<2x1x48x1x128xf32, #tpu.memory_space<vmem>>, vector<16xf32>,
        %get3A_382 = arith.constant 0 : i32
        %get3A_383 = arith.constant 0 : i32
        %get3A_384 = arith.index_cast %get3A_382 : i32 to index
        %get3A_385 = arith.index_cast %scan3A_347 : i32 to index
        %get3A_386 = arith.index_cast %get3A_383 : i32 to index
        %get3A_387 = arith.constant 32 : index
        %get3A_388 = tpu.vector_load %arg6[%get3A_384, %get3A_385, %get3A_386, %get3A_387] {strides = array<i32>} : memref<2x48x1x128xi32, #tpu.memory_space<vmem>>, vector<16xi32>,
        %broadcast_in_dim3A_389 = arith.constant 0 : i32
        %broadcast_in_dim3A_390 = vector.broadcast %broadcast_in_dim3A_389 : i32 to vector<16xi32>
        %gather3A_391 = tpu.vector_load_idx %arg5[%broadcast_in_dim3A_390, %get3A_388] : memref<1x100000xf32, #tpu.memory_space<vmem>>[vector<16xi32>, vector<16xi32>], vector<16xf32>,
        %swap3A_392 = arith.constant 0 : i32
        %swap3A_393 = arith.constant 0 : i32
        %swap3A_394 = arith.constant 0 : i32
        %swap3A_395 = arith.index_cast %swap3A_392 : i32 to index
        %swap3A_396 = arith.index_cast %swap3A_393 : i32 to index
        %swap3A_397 = arith.index_cast %scan3A_347 : i32 to index
        %swap3A_398 = arith.index_cast %swap3A_394 : i32 to index
        %swap3A_399 = arith.constant 32 : index
        %swap3A_400 = tpu.vector_load %arg7[%swap3A_395, %swap3A_396, %swap3A_397, %swap3A_398, %swap3A_399] {strides = array<i32>} : memref<2x1x48x1x128xf32, #tpu.memory_space<vmem>>, vector<16xf32>,
        tpu.vector_store %arg7[%swap3A_395, %swap3A_396, %swap3A_397, %swap3A_398, %swap3A_399], %gather3A_391 {strides = array<i32>} : memref<2x1x48x1x128xf32, #tpu.memory_space<vmem>>, vector<16xf32>,
        %get3A_401 = arith.constant 0 : i32
        %get3A_402 = arith.constant 0 : i32
        %get3A_403 = arith.index_cast %get3A_401 : i32 to index
        %get3A_404 = arith.index_cast %scan3A_347 : i32 to index
        %get3A_405 = arith.index_cast %get3A_402 : i32 to index
        %get3A_406 = arith.constant 48 : index
        %get3A_407 = tpu.vector_load %arg6[%get3A_403, %get3A_404, %get3A_405, %get3A_406] {strides = array<i32>} : memref<2x48x1x128xi32, #tpu.memory_space<vmem>>, vector<16xi32>,
        %broadcast_in_dim3A_408 = arith.constant 0 : i32
        %broadcast_in_dim3A_409 = vector.broadcast %broadcast_in_dim3A_408 : i32 to vector<16xi32>
        %gather3A_410 = tpu.vector_load_idx %arg5[%broadcast_in_dim3A_409, %get3A_407] : memref<1x100000xf32, #tpu.memory_space<vmem>>[vector<16xi32>, vector<16xi32>], vector<16xf32>,
        %swap3A_411 = arith.constant 0 : i32
        %swap3A_412 = arith.constant 0 : i32
        %swap3A_413 = arith.constant 0 : i32
        %swap3A_414 = arith.index_cast %swap3A_411 : i32 to index
        %swap3A_415 = arith.index_cast %swap3A_412 : i32 to index
        %swap3A_416 = arith.index_cast %scan3A_347 : i32 to index
        %swap3A_417 = arith.index_cast %swap3A_413 : i32 to index
        %swap3A_418 = arith.constant 48 : index
        %swap3A_419 = tpu.vector_load %arg7[%swap3A_414, %swap3A_415, %swap3A_416, %swap3A_417, %swap3A_418] {strides = array<i32>} : memref<2x1x48x1x128xf32, #tpu.memory_space<vmem>>, vector<16xf32>,
        tpu.vector_store %arg7[%swap3A_414, %swap3A_415, %swap3A_416, %swap3A_417, %swap3A_418], %gather3A_410 {strides = array<i32>} : memref<2x1x48x1x128xf32, #tpu.memory_space<vmem>>, vector<16xf32>,
        %get3A_420 = arith.constant 0 : i32
        %get3A_421 = arith.constant 0 : i32
        %get3A_422 = arith.index_cast %get3A_420 : i32 to index
        %get3A_423 = arith.index_cast %scan3A_347 : i32 to index
        %get3A_424 = arith.index_cast %get3A_421 : i32 to index
        %get3A_425 = arith.constant 64 : index
        %get3A_426 = tpu.vector_load %arg6[%get3A_422, %get3A_423, %get3A_424, %get3A_425] {strides = array<i32>} : memref<2x48x1x128xi32, #tpu.memory_space<vmem>>, vector<16xi32>,
        %broadcast_in_dim3A_427 = arith.constant 0 : i32
        %broadcast_in_dim3A_428 = vector.broadcast %broadcast_in_dim3A_427 : i32 to vector<16xi32>
        %gather3A_429 = tpu.vector_load_idx %arg5[%broadcast_in_dim3A_428, %get3A_426] : memref<1x100000xf32, #tpu.memory_space<vmem>>[vector<16xi32>, vector<16xi32>], vector<16xf32>,
        %swap3A_430 = arith.constant 0 : i32
        %swap3A_431 = arith.constant 0 : i32
        %swap3A_432 = arith.constant 0 : i32
        %swap3A_433 = arith.index_cast %swap3A_430 : i32 to index
        %swap3A_434 = arith.index_cast %swap3A_431 : i32 to index
        %swap3A_435 = arith.index_cast %scan3A_347 : i32 to index
        %swap3A_436 = arith.index_cast %swap3A_432 : i32 to index
        %swap3A_437 = arith.constant 64 : index
        %swap3A_438 = tpu.vector_load %arg7[%swap3A_433, %swap3A_434, %swap3A_435, %swap3A_436, %swap3A_437] {strides = array<i32>} : memref<2x1x48x1x128xf32, #tpu.memory_space<vmem>>, vector<16xf32>,
        tpu.vector_store %arg7[%swap3A_433, %swap3A_434, %swap3A_435, %swap3A_436, %swap3A_437], %gather3A_429 {strides = array<i32>} : memref<2x1x48x1x128xf32, #tpu.memory_space<vmem>>, vector<16xf32>,
        %get3A_439 = arith.constant 0 : i32
        %get3A_440 = arith.constant 0 : i32
        %get3A_441 = arith.index_cast %get3A_439 : i32 to index
        %get3A_442 = arith.index_cast %scan3A_347 : i32 to index
        %get3A_443 = arith.index_cast %get3A_440 : i32 to index
        %get3A_444 = arith.constant 80 : index
        %get3A_445 = tpu.vector_load %arg6[%get3A_441, %get3A_442, %get3A_443, %get3A_444] {strides = array<i32>} : memref<2x48x1x128xi32, #tpu.memory_space<vmem>>, vector<16xi32>,
        %broadcast_in_dim3A_446 = arith.constant 0 : i32
        %broadcast_in_dim3A_447 = vector.broadcast %broadcast_in_dim3A_446 : i32 to vector<16xi32>
        %gather3A_448 = tpu.vector_load_idx %arg5[%broadcast_in_dim3A_447, %get3A_445] : memref<1x100000xf32, #tpu.memory_space<vmem>>[vector<16xi32>, vector<16xi32>], vector<16xf32>,
        %swap3A_449 = arith.constant 0 : i32
        %swap3A_450 = arith.constant 0 : i32
        %swap3A_451 = arith.constant 0 : i32
        %swap3A_452 = arith.index_cast %swap3A_449 : i32 to index
        %swap3A_453 = arith.index_cast %swap3A_450 : i32 to index
        %swap3A_454 = arith.index_cast %scan3A_347 : i32 to index
        %swap3A_455 = arith.index_cast %swap3A_451 : i32 to index
        %swap3A_456 = arith.constant 80 : index
        %swap3A_457 = tpu.vector_load %arg7[%swap3A_452, %swap3A_453, %swap3A_454, %swap3A_455, %swap3A_456] {strides = array<i32>} : memref<2x1x48x1x128xf32, #tpu.memory_space<vmem>>, vector<16xf32>,
        tpu.vector_store %arg7[%swap3A_452, %swap3A_453, %swap3A_454, %swap3A_455, %swap3A_456], %gather3A_448 {strides = array<i32>} : memref<2x1x48x1x128xf32, #tpu.memory_space<vmem>>, vector<16xf32>,
        %get3A_458 = arith.constant 0 : i32
        %get3A_459 = arith.constant 0 : i32
        %get3A_460 = arith.index_cast %get3A_458 : i32 to index
        %get3A_461 = arith.index_cast %scan3A_347 : i32 to index
        %get3A_462 = arith.index_cast %get3A_459 : i32 to index
        %get3A_463 = arith.constant 96 : index
        %get3A_464 = tpu.vector_load %arg6[%get3A_460, %get3A_461, %get3A_462, %get3A_463] {strides = array<i32>} : memref<2x48x1x128xi32, #tpu.memory_space<vmem>>, vector<16xi32>,
        %broadcast_in_dim3A_465 = arith.constant 0 : i32
        %broadcast_in_dim3A_466 = vector.broadcast %broadcast_in_dim3A_465 : i32 to vector<16xi32>
        %gather3A_467 = tpu.vector_load_idx %arg5[%broadcast_in_dim3A_466, %get3A_464] : memref<1x100000xf32, #tpu.memory_space<vmem>>[vector<16xi32>, vector<16xi32>], vector<16xf32>,
        %swap3A_468 = arith.constant 0 : i32
        %swap3A_469 = arith.constant 0 : i32
        %swap3A_470 = arith.constant 0 : i32
        %swap3A_471 = arith.index_cast %swap3A_468 : i32 to index
        %swap3A_472 = arith.index_cast %swap3A_469 : i32 to index
        %swap3A_473 = arith.index_cast %scan3A_347 : i32 to index
        %swap3A_474 = arith.index_cast %swap3A_470 : i32 to index
        %swap3A_475 = arith.constant 96 : index
        %swap3A_476 = tpu.vector_load %arg7[%swap3A_471, %swap3A_472, %swap3A_473, %swap3A_474, %swap3A_475] {strides = array<i32>} : memref<2x1x48x1x128xf32, #tpu.memory_space<vmem>>, vector<16xf32>,
        tpu.vector_store %arg7[%swap3A_471, %swap3A_472, %swap3A_473, %swap3A_474, %swap3A_475], %gather3A_467 {strides = array<i32>} : memref<2x1x48x1x128xf32, #tpu.memory_space<vmem>>, vector<16xf32>,
        %get3A_477 = arith.constant 0 : i32
        %get3A_478 = arith.constant 0 : i32
        %get3A_479 = arith.index_cast %get3A_477 : i32 to index
        %get3A_480 = arith.index_cast %scan3A_347 : i32 to index
        %get3A_481 = arith.index_cast %get3A_478 : i32 to index
        %get3A_482 = arith.constant 112 : index
        %get3A_483 = tpu.vector_load %arg6[%get3A_479, %get3A_480, %get3A_481, %get3A_482] {strides = array<i32>} : memref<2x48x1x128xi32, #tpu.memory_space<vmem>>, vector<16xi32>,
        %broadcast_in_dim3A_484 = arith.constant 0 : i32
        %broadcast_in_dim3A_485 = vector.broadcast %broadcast_in_dim3A_484 : i32 to vector<16xi32>
        %gather3A_486 = tpu.vector_load_idx %arg5[%broadcast_in_dim3A_485, %get3A_483] : memref<1x100000xf32, #tpu.memory_space<vmem>>[vector<16xi32>, vector<16xi32>], vector<16xf32>,
        %swap3A_487 = arith.constant 0 : i32
        %swap3A_488 = arith.constant 0 : i32
        %swap3A_489 = arith.constant 0 : i32
        %swap3A_490 = arith.index_cast %swap3A_487 : i32 to index
        %swap3A_491 = arith.index_cast %swap3A_488 : i32 to index
        %swap3A_492 = arith.index_cast %scan3A_347 : i32 to index
        %swap3A_493 = arith.index_cast %swap3A_489 : i32 to index
        %swap3A_494 = arith.constant 112 : index
        %swap3A_495 = tpu.vector_load %arg7[%swap3A_490, %swap3A_491, %swap3A_492, %swap3A_493, %swap3A_494] {strides = array<i32>} : memref<2x1x48x1x128xf32, #tpu.memory_space<vmem>>, vector<16xf32>,
        tpu.vector_store %arg7[%swap3A_490, %swap3A_491, %swap3A_492, %swap3A_493, %swap3A_494], %gather3A_486 {strides = array<i32>} : memref<2x1x48x1x128xf32, #tpu.memory_space<vmem>>, vector<16xf32>,
      }
      %scan3A_257 = arith.constant 48 : i32
      %mul3A_258 = arith.constant 48 : i32
      %mul3A_259 = arith.muli %add3A_219, %mul3A_258 : i32
      %sub3A_260 = arith.constant 48 : i32
      %sub3A_261 = arith.subi %sub3A_77, %sub3A_260 : i32
      %min3A_262 = arith.minsi %mul3A_259, %sub3A_261 : i32
      %add3A_263 = arith.addi %add3A_74, %min3A_262 : i32
      %dma_start3A_264 = arith.constant 0 : i32
      %dma_start3A_265 = arith.constant 0 : i32
      %dma_start3A_266 = arith.constant 0 : i32
      %dma_start3A_267 = arith.constant 0 : i32
      %dma_start3A_268 = arith.constant 0 : i32
      %dma_start3A_269 = tpu.memref_slice %arg7[%dma_start3A_264, %dma_start3A_265, %dma_start3A_266, %dma_start3A_267, %dma_start3A_268] : memref<2x1x48x1x128xf32, #tpu.memory_space<vmem>> -> memref<1x1x48x1x128xf32, #tpu.memory_space<vmem>>
      %dma_start3A_270 = tpu.memref_squeeze %dma_start3A_269 : memref<1x1x48x1x128xf32, #tpu.memory_space<vmem>> -> memref<1x48x1x128xf32, #tpu.memory_space<vmem>>
      %dma_start3A_271 = arith.constant 0 : i32
      %dma_start3A_272 = tpu.memref_slice %arg4[%select_n3A, %add3A_263, %select_n3A_54, %dma_start3A_271] : memref<4x6250x2x128xf32, #tpu.memory_space<hbm>> -> memref<1x48x1x128xf32, #tpu.memory_space<hbm>>
      %dma_start3A_273 = arith.constant 0 : i32
      %dma_start3A_274 = tpu.memref_slice %arg4[%select_n3A, %add3A_263, %select_n3A_54, %dma_start3A_273] : memref<4x6250x2x128xf32, #tpu.memory_space<hbm>> -> memref<1x48x1x128xf32, #tpu.memory_space<hbm>>
      %dma_start3A_275 = arith.constant 0 : i32
      %dma_start3A_276 = arith.constant 0 : i32
      %dma_start3A_277 = arith.constant 0 : i32
      %dma_start3A_278 = arith.constant 0 : i32
      %dma_start3A_279 = tpu.memref_slice %arg7[%dma_start3A_264, %dma_start3A_275, %dma_start3A_276, %dma_start3A_277, %dma_start3A_278] : memref<2x1x48x1x128xf32, #tpu.memory_space<vmem>> -> memref<1x1x48x1x128xf32, #tpu.memory_space<vmem>>
      %dma_start3A_280 = tpu.memref_squeeze %dma_start3A_279 : memref<1x1x48x1x128xf32, #tpu.memory_space<vmem>> -> memref<1x48x1x128xf32, #tpu.memory_space<vmem>>
      tpu.enqueue_dma source(%dma_start3A_280 : memref<1x48x1x128xf32, #tpu.memory_space<vmem>>) target(%dma_start3A_274 : memref<1x48x1x128xf32, #tpu.memory_space<hbm>>) target_semaphore(%arg10 : memref<!tpu.dma_semaphore, #tpu.memory_space<semaphore_mem>>)
      %mul3A_281 = arith.constant 2 : i32
      %mul3A_282 = arith.muli %mul3A_281, %scan3A_215 : i32
      %add3A_283 = arith.constant 1 : i32
      %add3A_284 = arith.addi %mul3A_282, %add3A_283 : i32
      %add3A_285 = arith.constant 1 : i32
      %add3A_286 = arith.addi %add3A_284, %add3A_285 : i32
      %lt3A_287 = arith.constant 33 : i32
      %lt3A_288 = arith.cmpi slt, %add3A_286, %lt3A_287 : i32
      %convert_element_type3A_289 = arith.extui %lt3A_288 : i1 to i32
      %cond3A_290 = arith.constant 0 : i32
      %cond3A_291 = arith.cmpi ne, %convert_element_type3A_289, %cond3A_290 : i32
      scf.if %cond3A_291 {
        %add3A_347 = arith.constant 1 : i32
        %add3A_348 = arith.addi %add3A_284, %add3A_347 : i32
        %mul3A_349 = arith.constant 48 : i32
        %mul3A_350 = arith.muli %add3A_348, %mul3A_349 : i32
        %sub3A_351 = arith.constant 48 : i32
        %sub3A_352 = arith.subi %sub3A_77, %sub3A_351 : i32
        %min3A_353 = arith.minsi %mul3A_350, %sub3A_352 : i32
        %add3A_354 = arith.addi %add3A_74, %min3A_353 : i32
        %dma_start3A_355 = arith.constant 0 : i32
        %dma_start3A_356 = arith.constant 0 : i32
        %dma_start3A_357 = arith.constant 0 : i32
        %dma_start3A_358 = arith.constant 0 : i32
        %dma_start3A_359 = tpu.memref_slice %arg6[%dma_start3A_355, %dma_start3A_356, %dma_start3A_357, %dma_start3A_358] : memref<2x48x1x128xi32, #tpu.memory_space<vmem>> -> memref<1x48x1x128xi32, #tpu.memory_space<vmem>>
        %dma_start3A_360 = tpu.memref_squeeze %dma_start3A_359 : memref<1x48x1x128xi32, #tpu.memory_space<vmem>> -> memref<48x1x128xi32, #tpu.memory_space<vmem>>
        %dma_start3A_361 = arith.constant 0 : i32
        %dma_start3A_362 = tpu.memref_slice %arg2[%add3A_354, %select_n3A, %dma_start3A_361] : memref<6250x4x128xi32, #tpu.memory_space<hbm>> -> memref<48x1x128xi32, #tpu.memory_space<hbm>>
        %dma_start3A_363 = arith.constant 0 : i32
        %dma_start3A_364 = arith.constant 0 : i32
        %dma_start3A_365 = arith.constant 0 : i32
        %dma_start3A_366 = tpu.memref_slice %arg6[%dma_start3A_355, %dma_start3A_363, %dma_start3A_364, %dma_start3A_365] : memref<2x48x1x128xi32, #tpu.memory_space<vmem>> -> memref<1x48x1x128xi32, #tpu.memory_space<vmem>>
        %dma_start3A_367 = tpu.memref_squeeze %dma_start3A_366 : memref<1x48x1x128xi32, #tpu.memory_space<vmem>> -> memref<48x1x128xi32, #tpu.memory_space<vmem>>
        %dma_start3A_368 = arith.constant 0 : i32
        %dma_start3A_369 = tpu.memref_slice %arg2[%add3A_354, %select_n3A, %dma_start3A_368] : memref<6250x4x128xi32, #tpu.memory_space<hbm>> -> memref<48x1x128xi32, #tpu.memory_space<hbm>>
        tpu.enqueue_dma source(%dma_start3A_369 : memref<48x1x128xi32, #tpu.memory_space<hbm>>) target(%dma_start3A_367 : memref<48x1x128xi32, #tpu.memory_space<vmem>>) target_semaphore(%arg8 : memref<!tpu.dma_semaphore, #tpu.memory_space<semaphore_mem>>)
      } else {
      }
      %mul3A_292 = arith.constant 48 : i32
      %mul3A_293 = arith.muli %add3A_284, %mul3A_292 : i32
      %sub3A_294 = arith.constant 48 : i32
      %sub3A_295 = arith.subi %sub3A_77, %sub3A_294 : i32
      %min3A_296 = arith.minsi %mul3A_293, %sub3A_295 : i32
      %add3A_297 = arith.addi %add3A_74, %min3A_296 : i32
      %dma_wait3A_298 = arith.constant 1 : i32
      %dma_wait3A_299 = arith.constant 0 : i32
      %dma_wait3A_300 = arith.constant 0 : i32
      %dma_wait3A_301 = arith.constant 0 : i32
      %dma_wait3A_302 = tpu.memref_slice %arg6[%dma_wait3A_298, %dma_wait3A_299, %dma_wait3A_300, %dma_wait3A_301] : memref<2x48x1x128xi32, #tpu.memory_space<vmem>> -> memref<1x48x1x128xi32, #tpu.memory_space<vmem>>
      %dma_wait3A_303 = tpu.memref_squeeze %dma_wait3A_302 : memref<1x48x1x128xi32, #tpu.memory_space<vmem>> -> memref<48x1x128xi32, #tpu.memory_space<vmem>>
      %dma_wait3A_304 = arith.constant 0 : i32
      %dma_wait3A_305 = tpu.memref_slice %arg2[%add3A_297, %select_n3A, %dma_wait3A_304] : memref<6250x4x128xi32, #tpu.memory_space<hbm>> -> memref<48x1x128xi32, #tpu.memory_space<hbm>>
      %dma_wait3A_306 = arith.constant 0 : i32
      %dma_wait3A_307 = arith.constant 0 : i32
      %dma_wait3A_308 = arith.constant 0 : i32
      %dma_wait3A_309 = tpu.memref_slice %arg6[%dma_wait3A_298, %dma_wait3A_306, %dma_wait3A_307, %dma_wait3A_308] : memref<2x48x1x128xi32, #tpu.memory_space<vmem>> -> memref<1x48x1x128xi32, #tpu.memory_space<vmem>>
      %dma_wait3A_310 = tpu.memref_squeeze %dma_wait3A_309 : memref<1x48x1x128xi32, #tpu.memory_space<vmem>> -> memref<48x1x128xi32, #tpu.memory_space<vmem>>
      %dma_wait3A_311 = arith.constant 0 : i32
      %dma_wait3A_312 = tpu.memref_slice %arg2[%add3A_297, %select_n3A, %dma_wait3A_311] : memref<6250x4x128xi32, #tpu.memory_space<hbm>> -> memref<48x1x128xi32, #tpu.memory_space<hbm>>
      tpu.wait_dma2 semaphore(%arg9 : memref<!tpu.dma_semaphore, #tpu.memory_space<semaphore_mem>>) src(%dma_wait3A_312 : memref<48x1x128xi32, #tpu.memory_space<hbm>>) dst(%dma_wait3A_310 : memref<48x1x128xi32, #tpu.memory_space<vmem>>)
      %ge3A_313 = arith.constant 2 : i32
      %ge3A_314 = arith.cmpi sge, %add3A_284, %ge3A_313 : i32
      %convert_element_type3A_315 = arith.extui %ge3A_314 : i1 to i32
      %cond3A_316 = arith.constant 0 : i32
      %cond3A_317 = arith.cmpi ne, %convert_element_type3A_315, %cond3A_316 : i32
      scf.if %cond3A_317 {
        %sub3A_347 = arith.constant 2 : i32
        %sub3A_348 = arith.subi %add3A_284, %sub3A_347 : i32
        %mul3A_349 = arith.constant 48 : i32
        %mul3A_350 = arith.muli %sub3A_348, %mul3A_349 : i32
        %sub3A_351 = arith.constant 48 : i32
        %sub3A_352 = arith.subi %sub3A_77, %sub3A_351 : i32
        %min3A_353 = arith.minsi %mul3A_350, %sub3A_352 : i32
        %add3A_354 = arith.addi %add3A_74, %min3A_353 : i32
        %dma_wait3A_355 = arith.constant 1 : i32
        %dma_wait3A_356 = arith.constant 0 : i32
        %dma_wait3A_357 = arith.constant 0 : i32
        %dma_wait3A_358 = arith.constant 0 : i32
        %dma_wait3A_359 = arith.constant 0 : i32
        %dma_wait3A_360 = tpu.memref_slice %arg7[%dma_wait3A_355, %dma_wait3A_356, %dma_wait3A_357, %dma_wait3A_358, %dma_wait3A_359] : memref<2x1x48x1x128xf32, #tpu.memory_space<vmem>> -> memref<1x1x48x1x128xf32, #tpu.memory_space<vmem>>
        %dma_wait3A_361 = tpu.memref_squeeze %dma_wait3A_360 : memref<1x1x48x1x128xf32, #tpu.memory_space<vmem>> -> memref<1x48x1x128xf32, #tpu.memory_space<vmem>>
        %dma_wait3A_362 = arith.constant 0 : i32
        %dma_wait3A_363 = tpu.memref_slice %arg4[%select_n3A, %add3A_354, %select_n3A_54, %dma_wait3A_362] : memref<4x6250x2x128xf32, #tpu.memory_space<hbm>> -> memref<1x48x1x128xf32, #tpu.memory_space<hbm>>
        %dma_wait3A_364 = arith.constant 0 : i32
        %dma_wait3A_365 = tpu.memref_slice %arg4[%select_n3A, %add3A_354, %select_n3A_54, %dma_wait3A_364] : memref<4x6250x2x128xf32, #tpu.memory_space<hbm>> -> memref<1x48x1x128xf32, #tpu.memory_space<hbm>>
        %dma_wait3A_366 = arith.constant 0 : i32
        %dma_wait3A_367 = arith.constant 0 : i32
        %dma_wait3A_368 = arith.constant 0 : i32
        %dma_wait3A_369 = arith.constant 0 : i32
        %dma_wait3A_370 = tpu.memref_slice %arg7[%dma_wait3A_355, %dma_wait3A_366, %dma_wait3A_367, %dma_wait3A_368, %dma_wait3A_369] : memref<2x1x48x1x128xf32, #tpu.memory_space<vmem>> -> memref<1x1x48x1x128xf32, #tpu.memory_space<vmem>>
        %dma_wait3A_371 = tpu.memref_squeeze %dma_wait3A_370 : memref<1x1x48x1x128xf32, #tpu.memory_space<vmem>> -> memref<1x48x1x128xf32, #tpu.memory_space<vmem>>
        tpu.wait_dma2 semaphore(%arg11 : memref<!tpu.dma_semaphore, #tpu.memory_space<semaphore_mem>>) src(%dma_wait3A_371 : memref<1x48x1x128xf32, #tpu.memory_space<vmem>>) dst(%dma_wait3A_365 : memref<1x48x1x128xf32, #tpu.memory_space<hbm>>)
      } else {
      }
      %scan3A_318 = arith.constant 0 : i32
      %scan3A_319 = arith.constant 0 : i32
      %scan3A_320 = arith.constant 48 : i32
      %scan3A_321 = arith.addi %scan3A_319, %scan3A_320 : i32
      %scan3A_322 = arith.constant 1 : i32
      scf.for %scan3A_347 = %scan3A_319 to %scan3A_321 step %scan3A_322  : i32 {
        %get3A = arith.constant 1 : i32
        %get3A_348 = arith.constant 0 : i32
        %get3A_349 = arith.index_cast %get3A : i32 to index
        %get3A_350 = arith.index_cast %scan3A_347 : i32 to index
        %get3A_351 = arith.index_cast %get3A_348 : i32 to index
        %get3A_352 = arith.constant 0 : index
        %get3A_353 = tpu.vector_load %arg6[%get3A_349, %get3A_350, %get3A_351, %get3A_352] {strides = array<i32>} : memref<2x48x1x128xi32, #tpu.memory_space<vmem>>, vector<16xi32>,
        %broadcast_in_dim3A = arith.constant 0 : i32
        %broadcast_in_dim3A_354 = vector.broadcast %broadcast_in_dim3A : i32 to vector<16xi32>
        %gather3A = tpu.vector_load_idx %arg5[%broadcast_in_dim3A_354, %get3A_353] : memref<1x100000xf32, #tpu.memory_space<vmem>>[vector<16xi32>, vector<16xi32>], vector<16xf32>,
        %swap3A = arith.constant 1 : i32
        %swap3A_355 = arith.constant 0 : i32
        %swap3A_356 = arith.constant 0 : i32
        %swap3A_357 = arith.index_cast %swap3A : i32 to index
        %swap3A_358 = arith.index_cast %swap3A_355 : i32 to index
        %swap3A_359 = arith.index_cast %scan3A_347 : i32 to index
        %swap3A_360 = arith.index_cast %swap3A_356 : i32 to index
        %swap3A_361 = arith.constant 0 : index
        %swap3A_362 = tpu.vector_load %arg7[%swap3A_357, %swap3A_358, %swap3A_359, %swap3A_360, %swap3A_361] {strides = array<i32>} : memref<2x1x48x1x128xf32, #tpu.memory_space<vmem>>, vector<16xf32>,
        tpu.vector_store %arg7[%swap3A_357, %swap3A_358, %swap3A_359, %swap3A_360, %swap3A_361], %gather3A {strides = array<i32>} : memref<2x1x48x1x128xf32, #tpu.memory_space<vmem>>, vector<16xf32>,
        %get3A_363 = arith.constant 1 : i32
        %get3A_364 = arith.constant 0 : i32
        %get3A_365 = arith.index_cast %get3A_363 : i32 to index
        %get3A_366 = arith.index_cast %scan3A_347 : i32 to index
        %get3A_367 = arith.index_cast %get3A_364 : i32 to index
        %get3A_368 = arith.constant 16 : index
        %get3A_369 = tpu.vector_load %arg6[%get3A_365, %get3A_366, %get3A_367, %get3A_368] {strides = array<i32>} : memref<2x48x1x128xi32, #tpu.memory_space<vmem>>, vector<16xi32>,
        %broadcast_in_dim3A_370 = arith.constant 0 : i32
        %broadcast_in_dim3A_371 = vector.broadcast %broadcast_in_dim3A_370 : i32 to vector<16xi32>
        %gather3A_372 = tpu.vector_load_idx %arg5[%broadcast_in_dim3A_371, %get3A_369] : memref<1x100000xf32, #tpu.memory_space<vmem>>[vector<16xi32>, vector<16xi32>], vector<16xf32>,
        %swap3A_373 = arith.constant 1 : i32
        %swap3A_374 = arith.constant 0 : i32
        %swap3A_375 = arith.constant 0 : i32
        %swap3A_376 = arith.index_cast %swap3A_373 : i32 to index
        %swap3A_377 = arith.index_cast %swap3A_374 : i32 to index
        %swap3A_378 = arith.index_cast %scan3A_347 : i32 to index
        %swap3A_379 = arith.index_cast %swap3A_375 : i32 to index
        %swap3A_380 = arith.constant 16 : index
        %swap3A_381 = tpu.vector_load %arg7[%swap3A_376, %swap3A_377, %swap3A_378, %swap3A_379, %swap3A_380] {strides = array<i32>} : memref<2x1x48x1x128xf32, #tpu.memory_space<vmem>>, vector<16xf32>,
        tpu.vector_store %arg7[%swap3A_376, %swap3A_377, %swap3A_378, %swap3A_379, %swap3A_380], %gather3A_372 {strides = array<i32>} : memref<2x1x48x1x128xf32, #tpu.memory_space<vmem>>, vector<16xf32>,
        %get3A_382 = arith.constant 1 : i32
        %get3A_383 = arith.constant 0 : i32
        %get3A_384 = arith.index_cast %get3A_382 : i32 to index
        %get3A_385 = arith.index_cast %scan3A_347 : i32 to index
        %get3A_386 = arith.index_cast %get3A_383 : i32 to index
        %get3A_387 = arith.constant 32 : index
        %get3A_388 = tpu.vector_load %arg6[%get3A_384, %get3A_385, %get3A_386, %get3A_387] {strides = array<i32>} : memref<2x48x1x128xi32, #tpu.memory_space<vmem>>, vector<16xi32>,
        %broadcast_in_dim3A_389 = arith.constant 0 : i32
        %broadcast_in_dim3A_390 = vector.broadcast %broadcast_in_dim3A_389 : i32 to vector<16xi32>
        %gather3A_391 = tpu.vector_load_idx %arg5[%broadcast_in_dim3A_390, %get3A_388] : memref<1x100000xf32, #tpu.memory_space<vmem>>[vector<16xi32>, vector<16xi32>], vector<16xf32>,
        %swap3A_392 = arith.constant 1 : i32
        %swap3A_393 = arith.constant 0 : i32
        %swap3A_394 = arith.constant 0 : i32
        %swap3A_395 = arith.index_cast %swap3A_392 : i32 to index
        %swap3A_396 = arith.index_cast %swap3A_393 : i32 to index
        %swap3A_397 = arith.index_cast %scan3A_347 : i32 to index
        %swap3A_398 = arith.index_cast %swap3A_394 : i32 to index
        %swap3A_399 = arith.constant 32 : index
        %swap3A_400 = tpu.vector_load %arg7[%swap3A_395, %swap3A_396, %swap3A_397, %swap3A_398, %swap3A_399] {strides = array<i32>} : memref<2x1x48x1x128xf32, #tpu.memory_space<vmem>>, vector<16xf32>,
        tpu.vector_store %arg7[%swap3A_395, %swap3A_396, %swap3A_397, %swap3A_398, %swap3A_399], %gather3A_391 {strides = array<i32>} : memref<2x1x48x1x128xf32, #tpu.memory_space<vmem>>, vector<16xf32>,
        %get3A_401 = arith.constant 1 : i32
        %get3A_402 = arith.constant 0 : i32
        %get3A_403 = arith.index_cast %get3A_401 : i32 to index
        %get3A_404 = arith.index_cast %scan3A_347 : i32 to index
        %get3A_405 = arith.index_cast %get3A_402 : i32 to index
        %get3A_406 = arith.constant 48 : index
        %get3A_407 = tpu.vector_load %arg6[%get3A_403, %get3A_404, %get3A_405, %get3A_406] {strides = array<i32>} : memref<2x48x1x128xi32, #tpu.memory_space<vmem>>, vector<16xi32>,
        %broadcast_in_dim3A_408 = arith.constant 0 : i32
        %broadcast_in_dim3A_409 = vector.broadcast %broadcast_in_dim3A_408 : i32 to vector<16xi32>
        %gather3A_410 = tpu.vector_load_idx %arg5[%broadcast_in_dim3A_409, %get3A_407] : memref<1x100000xf32, #tpu.memory_space<vmem>>[vector<16xi32>, vector<16xi32>], vector<16xf32>,
        %swap3A_411 = arith.constant 1 : i32
        %swap3A_412 = arith.constant 0 : i32
        %swap3A_413 = arith.constant 0 : i32
        %swap3A_414 = arith.index_cast %swap3A_411 : i32 to index
        %swap3A_415 = arith.index_cast %swap3A_412 : i32 to index
        %swap3A_416 = arith.index_cast %scan3A_347 : i32 to index
        %swap3A_417 = arith.index_cast %swap3A_413 : i32 to index
        %swap3A_418 = arith.constant 48 : index
        %swap3A_419 = tpu.vector_load %arg7[%swap3A_414, %swap3A_415, %swap3A_416, %swap3A_417, %swap3A_418] {strides = array<i32>} : memref<2x1x48x1x128xf32, #tpu.memory_space<vmem>>, vector<16xf32>,
        tpu.vector_store %arg7[%swap3A_414, %swap3A_415, %swap3A_416, %swap3A_417, %swap3A_418], %gather3A_410 {strides = array<i32>} : memref<2x1x48x1x128xf32, #tpu.memory_space<vmem>>, vector<16xf32>,
        %get3A_420 = arith.constant 1 : i32
        %get3A_421 = arith.constant 0 : i32
        %get3A_422 = arith.index_cast %get3A_420 : i32 to index
        %get3A_423 = arith.index_cast %scan3A_347 : i32 to index
        %get3A_424 = arith.index_cast %get3A_421 : i32 to index
        %get3A_425 = arith.constant 64 : index
        %get3A_426 = tpu.vector_load %arg6[%get3A_422, %get3A_423, %get3A_424, %get3A_425] {strides = array<i32>} : memref<2x48x1x128xi32, #tpu.memory_space<vmem>>, vector<16xi32>,
        %broadcast_in_dim3A_427 = arith.constant 0 : i32
        %broadcast_in_dim3A_428 = vector.broadcast %broadcast_in_dim3A_427 : i32 to vector<16xi32>
        %gather3A_429 = tpu.vector_load_idx %arg5[%broadcast_in_dim3A_428, %get3A_426] : memref<1x100000xf32, #tpu.memory_space<vmem>>[vector<16xi32>, vector<16xi32>], vector<16xf32>,
        %swap3A_430 = arith.constant 1 : i32
        %swap3A_431 = arith.constant 0 : i32
        %swap3A_432 = arith.constant 0 : i32
        %swap3A_433 = arith.index_cast %swap3A_430 : i32 to index
        %swap3A_434 = arith.index_cast %swap3A_431 : i32 to index
        %swap3A_435 = arith.index_cast %scan3A_347 : i32 to index
        %swap3A_436 = arith.index_cast %swap3A_432 : i32 to index
        %swap3A_437 = arith.constant 64 : index
        %swap3A_438 = tpu.vector_load %arg7[%swap3A_433, %swap3A_434, %swap3A_435, %swap3A_436, %swap3A_437] {strides = array<i32>} : memref<2x1x48x1x128xf32, #tpu.memory_space<vmem>>, vector<16xf32>,
        tpu.vector_store %arg7[%swap3A_433, %swap3A_434, %swap3A_435, %swap3A_436, %swap3A_437], %gather3A_429 {strides = array<i32>} : memref<2x1x48x1x128xf32, #tpu.memory_space<vmem>>, vector<16xf32>,
        %get3A_439 = arith.constant 1 : i32
        %get3A_440 = arith.constant 0 : i32
        %get3A_441 = arith.index_cast %get3A_439 : i32 to index
        %get3A_442 = arith.index_cast %scan3A_347 : i32 to index
        %get3A_443 = arith.index_cast %get3A_440 : i32 to index
        %get3A_444 = arith.constant 80 : index
        %get3A_445 = tpu.vector_load %arg6[%get3A_441, %get3A_442, %get3A_443, %get3A_444] {strides = array<i32>} : memref<2x48x1x128xi32, #tpu.memory_space<vmem>>, vector<16xi32>,
        %broadcast_in_dim3A_446 = arith.constant 0 : i32
        %broadcast_in_dim3A_447 = vector.broadcast %broadcast_in_dim3A_446 : i32 to vector<16xi32>
        %gather3A_448 = tpu.vector_load_idx %arg5[%broadcast_in_dim3A_447, %get3A_445] : memref<1x100000xf32, #tpu.memory_space<vmem>>[vector<16xi32>, vector<16xi32>], vector<16xf32>,
        %swap3A_449 = arith.constant 1 : i32
        %swap3A_450 = arith.constant 0 : i32
        %swap3A_451 = arith.constant 0 : i32
        %swap3A_452 = arith.index_cast %swap3A_449 : i32 to index
        %swap3A_453 = arith.index_cast %swap3A_450 : i32 to index
        %swap3A_454 = arith.index_cast %scan3A_347 : i32 to index
        %swap3A_455 = arith.index_cast %swap3A_451 : i32 to index
        %swap3A_456 = arith.constant 80 : index
        %swap3A_457 = tpu.vector_load %arg7[%swap3A_452, %swap3A_453, %swap3A_454, %swap3A_455, %swap3A_456] {strides = array<i32>} : memref<2x1x48x1x128xf32, #tpu.memory_space<vmem>>, vector<16xf32>,
        tpu.vector_store %arg7[%swap3A_452, %swap3A_453, %swap3A_454, %swap3A_455, %swap3A_456], %gather3A_448 {strides = array<i32>} : memref<2x1x48x1x128xf32, #tpu.memory_space<vmem>>, vector<16xf32>,
        %get3A_458 = arith.constant 1 : i32
        %get3A_459 = arith.constant 0 : i32
        %get3A_460 = arith.index_cast %get3A_458 : i32 to index
        %get3A_461 = arith.index_cast %scan3A_347 : i32 to index
        %get3A_462 = arith.index_cast %get3A_459 : i32 to index
        %get3A_463 = arith.constant 96 : index
        %get3A_464 = tpu.vector_load %arg6[%get3A_460, %get3A_461, %get3A_462, %get3A_463] {strides = array<i32>} : memref<2x48x1x128xi32, #tpu.memory_space<vmem>>, vector<16xi32>,
        %broadcast_in_dim3A_465 = arith.constant 0 : i32
        %broadcast_in_dim3A_466 = vector.broadcast %broadcast_in_dim3A_465 : i32 to vector<16xi32>
        %gather3A_467 = tpu.vector_load_idx %arg5[%broadcast_in_dim3A_466, %get3A_464] : memref<1x100000xf32, #tpu.memory_space<vmem>>[vector<16xi32>, vector<16xi32>], vector<16xf32>,
        %swap3A_468 = arith.constant 1 : i32
        %swap3A_469 = arith.constant 0 : i32
        %swap3A_470 = arith.constant 0 : i32
        %swap3A_471 = arith.index_cast %swap3A_468 : i32 to index
        %swap3A_472 = arith.index_cast %swap3A_469 : i32 to index
        %swap3A_473 = arith.index_cast %scan3A_347 : i32 to index
        %swap3A_474 = arith.index_cast %swap3A_470 : i32 to index
        %swap3A_475 = arith.constant 96 : index
        %swap3A_476 = tpu.vector_load %arg7[%swap3A_471, %swap3A_472, %swap3A_473, %swap3A_474, %swap3A_475] {strides = array<i32>} : memref<2x1x48x1x128xf32, #tpu.memory_space<vmem>>, vector<16xf32>,
        tpu.vector_store %arg7[%swap3A_471, %swap3A_472, %swap3A_473, %swap3A_474, %swap3A_475], %gather3A_467 {strides = array<i32>} : memref<2x1x48x1x128xf32, #tpu.memory_space<vmem>>, vector<16xf32>,
        %get3A_477 = arith.constant 1 : i32
        %get3A_478 = arith.constant 0 : i32
        %get3A_479 = arith.index_cast %get3A_477 : i32 to index
        %get3A_480 = arith.index_cast %scan3A_347 : i32 to index
        %get3A_481 = arith.index_cast %get3A_478 : i32 to index
        %get3A_482 = arith.constant 112 : index
        %get3A_483 = tpu.vector_load %arg6[%get3A_479, %get3A_480, %get3A_481, %get3A_482] {strides = array<i32>} : memref<2x48x1x128xi32, #tpu.memory_space<vmem>>, vector<16xi32>,
        %broadcast_in_dim3A_484 = arith.constant 0 : i32
        %broadcast_in_dim3A_485 = vector.broadcast %broadcast_in_dim3A_484 : i32 to vector<16xi32>
        %gather3A_486 = tpu.vector_load_idx %arg5[%broadcast_in_dim3A_485, %get3A_483] : memref<1x100000xf32, #tpu.memory_space<vmem>>[vector<16xi32>, vector<16xi32>], vector<16xf32>,
        %swap3A_487 = arith.constant 1 : i32
        %swap3A_488 = arith.constant 0 : i32
        %swap3A_489 = arith.constant 0 : i32
        %swap3A_490 = arith.index_cast %swap3A_487 : i32 to index
        %swap3A_491 = arith.index_cast %swap3A_488 : i32 to index
        %swap3A_492 = arith.index_cast %scan3A_347 : i32 to index
        %swap3A_493 = arith.index_cast %swap3A_489 : i32 to index
        %swap3A_494 = arith.constant 112 : index
        %swap3A_495 = tpu.vector_load %arg7[%swap3A_490, %swap3A_491, %swap3A_492, %swap3A_493, %swap3A_494] {strides = array<i32>} : memref<2x1x48x1x128xf32, #tpu.memory_space<vmem>>, vector<16xf32>,
        tpu.vector_store %arg7[%swap3A_490, %swap3A_491, %swap3A_492, %swap3A_493, %swap3A_494], %gather3A_486 {strides = array<i32>} : memref<2x1x48x1x128xf32, #tpu.memory_space<vmem>>, vector<16xf32>,
      }
      %scan3A_323 = arith.constant 48 : i32
      %mul3A_324 = arith.constant 48 : i32
      %mul3A_325 = arith.muli %add3A_284, %mul3A_324 : i32
      %sub3A_326 = arith.constant 48 : i32
      %sub3A_327 = arith.subi %sub3A_77, %sub3A_326 : i32
      %min3A_328 = arith.minsi %mul3A_325, %sub3A_327 : i32
      %add3A_329 = arith.addi %add3A_74, %min3A_328 : i32
      %dma_start3A_330 = arith.constant 1 : i32
      %dma_start3A_331 = arith.constant 0 : i32
      %dma_start3A_332 = arith.constant 0 : i32
      %dma_start3A_333 = arith.constant 0 : i32
      %dma_start3A_334 = arith.constant 0 : i32
      %dma_start3A_335 = tpu.memref_slice %arg7[%dma_start3A_330, %dma_start3A_331, %dma_start3A_332, %dma_start3A_333, %dma_start3A_334] : memref<2x1x48x1x128xf32, #tpu.memory_space<vmem>> -> memref<1x1x48x1x128xf32, #tpu.memory_space<vmem>>
      %dma_start3A_336 = tpu.memref_squeeze %dma_start3A_335 : memref<1x1x48x1x128xf32, #tpu.memory_space<vmem>> -> memref<1x48x1x128xf32, #tpu.memory_space<vmem>>
      %dma_start3A_337 = arith.constant 0 : i32
      %dma_start3A_338 = tpu.memref_slice %arg4[%select_n3A, %add3A_329, %select_n3A_54, %dma_start3A_337] : memref<4x6250x2x128xf32, #tpu.memory_space<hbm>> -> memref<1x48x1x128xf32, #tpu.memory_space<hbm>>
      %dma_start3A_339 = arith.constant 0 : i32
      %dma_start3A_340 = tpu.memref_slice %arg4[%select_n3A, %add3A_329, %select_n3A_54, %dma_start3A_339] : memref<4x6250x2x128xf32, #tpu.memory_space<hbm>> -> memref<1x48x1x128xf32, #tpu.memory_space<hbm>>
      %dma_start3A_341 = arith.constant 0 : i32
      %dma_start3A_342 = arith.constant 0 : i32
      %dma_start3A_343 = arith.constant 0 : i32
      %dma_start3A_344 = arith.constant 0 : i32
      %dma_start3A_345 = tpu.memref_slice %arg7[%dma_start3A_330, %dma_start3A_341, %dma_start3A_342, %dma_start3A_343, %dma_start3A_344] : memref<2x1x48x1x128xf32, #tpu.memory_space<vmem>> -> memref<1x1x48x1x128xf32, #tpu.memory_space<vmem>>
      %dma_start3A_346 = tpu.memref_squeeze %dma_start3A_345 : memref<1x1x48x1x128xf32, #tpu.memory_space<vmem>> -> memref<1x48x1x128xf32, #tpu.memory_space<vmem>>
      tpu.enqueue_dma source(%dma_start3A_346 : memref<1x48x1x128xf32, #tpu.memory_space<vmem>>) target(%dma_start3A_340 : memref<1x48x1x128xf32, #tpu.memory_space<hbm>>) target_semaphore(%arg11 : memref<!tpu.dma_semaphore, #tpu.memory_space<semaphore_mem>>)
    }
    %scan3A_101 = arith.constant 16 : i32
    %sub3A_102 = arith.constant 48 : i32
    %sub3A_103 = arith.subi %sub3A_77, %sub3A_102 : i32
    %min3A_104 = arith.constant 1536 : i32
    %min3A_105 = arith.minsi %min3A_104, %sub3A_103 : i32
    %add3A_106 = arith.addi %add3A_74, %min3A_105 : i32
    %dma_wait3A = arith.constant 0 : i32
    %dma_wait3A_107 = arith.constant 0 : i32
    %dma_wait3A_108 = arith.constant 0 : i32
    %dma_wait3A_109 = arith.constant 0 : i32
    %dma_wait3A_110 = tpu.memref_slice %arg6[%dma_wait3A, %dma_wait3A_107, %dma_wait3A_108, %dma_wait3A_109] : memref<2x48x1x128xi32, #tpu.memory_space<vmem>> -> memref<1x48x1x128xi32, #tpu.memory_space<vmem>>
    %dma_wait3A_111 = tpu.memref_squeeze %dma_wait3A_110 : memref<1x48x1x128xi32, #tpu.memory_space<vmem>> -> memref<48x1x128xi32, #tpu.memory_space<vmem>>
    %dma_wait3A_112 = arith.constant 0 : i32
    %dma_wait3A_113 = tpu.memref_slice %arg2[%add3A_106, %select_n3A, %dma_wait3A_112] : memref<6250x4x128xi32, #tpu.memory_space<hbm>> -> memref<48x1x128xi32, #tpu.memory_space<hbm>>
    %dma_wait3A_114 = arith.constant 0 : i32
    %dma_wait3A_115 = arith.constant 0 : i32
    %dma_wait3A_116 = arith.constant 0 : i32
    %dma_wait3A_117 = tpu.memref_slice %arg6[%dma_wait3A, %dma_wait3A_114, %dma_wait3A_115, %dma_wait3A_116] : memref<2x48x1x128xi32, #tpu.memory_space<vmem>> -> memref<1x48x1x128xi32, #tpu.memory_space<vmem>>
    %dma_wait3A_118 = tpu.memref_squeeze %dma_wait3A_117 : memref<1x48x1x128xi32, #tpu.memory_space<vmem>> -> memref<48x1x128xi32, #tpu.memory_space<vmem>>
    %dma_wait3A_119 = arith.constant 0 : i32
    %dma_wait3A_120 = tpu.memref_slice %arg2[%add3A_106, %select_n3A, %dma_wait3A_119] : memref<6250x4x128xi32, #tpu.memory_space<hbm>> -> memref<48x1x128xi32, #tpu.memory_space<hbm>>
    tpu.wait_dma2 semaphore(%arg8 : memref<!tpu.dma_semaphore, #tpu.memory_space<semaphore_mem>>) src(%dma_wait3A_120 : memref<48x1x128xi32, #tpu.memory_space<hbm>>) dst(%dma_wait3A_118 : memref<48x1x128xi32, #tpu.memory_space<vmem>>)
    %sub3A_121 = arith.constant 48 : i32
    %sub3A_122 = arith.subi %sub3A_77, %sub3A_121 : i32
    %min3A_123 = arith.constant 1440 : i32
    %min3A_124 = arith.minsi %min3A_123, %sub3A_122 : i32
    %add3A_125 = arith.addi %add3A_74, %min3A_124 : i32
    %dma_wait3A_126 = arith.constant 0 : i32
    %dma_wait3A_127 = arith.constant 0 : i32
    %dma_wait3A_128 = arith.constant 0 : i32
    %dma_wait3A_129 = arith.constant 0 : i32
    %dma_wait3A_130 = arith.constant 0 : i32
    %dma_wait3A_131 = tpu.memref_slice %arg7[%dma_wait3A_126, %dma_wait3A_127, %dma_wait3A_128, %dma_wait3A_129, %dma_wait3A_130] : memref<2x1x48x1x128xf32, #tpu.memory_space<vmem>> -> memref<1x1x48x1x128xf32, #tpu.memory_space<vmem>>
    %dma_wait3A_132 = tpu.memref_squeeze %dma_wait3A_131 : memref<1x1x48x1x128xf32, #tpu.memory_space<vmem>> -> memref<1x48x1x128xf32, #tpu.memory_space<vmem>>
    %dma_wait3A_133 = arith.constant 0 : i32
    %dma_wait3A_134 = tpu.memref_slice %arg4[%select_n3A, %add3A_125, %select_n3A_54, %dma_wait3A_133] : memref<4x6250x2x128xf32, #tpu.memory_space<hbm>> -> memref<1x48x1x128xf32, #tpu.memory_space<hbm>>
    %dma_wait3A_135 = arith.constant 0 : i32
    %dma_wait3A_136 = tpu.memref_slice %arg4[%select_n3A, %add3A_125, %select_n3A_54, %dma_wait3A_135] : memref<4x6250x2x128xf32, #tpu.memory_space<hbm>> -> memref<1x48x1x128xf32, #tpu.memory_space<hbm>>
    %dma_wait3A_137 = arith.constant 0 : i32
    %dma_wait3A_138 = arith.constant 0 : i32
    %dma_wait3A_139 = arith.constant 0 : i32
    %dma_wait3A_140 = arith.constant 0 : i32
    %dma_wait3A_141 = tpu.memref_slice %arg7[%dma_wait3A_126, %dma_wait3A_137, %dma_wait3A_138, %dma_wait3A_139, %dma_wait3A_140] : memref<2x1x48x1x128xf32, #tpu.memory_space<vmem>> -> memref<1x1x48x1x128xf32, #tpu.memory_space<vmem>>
    %dma_wait3A_142 = tpu.memref_squeeze %dma_wait3A_141 : memref<1x1x48x1x128xf32, #tpu.memory_space<vmem>> -> memref<1x48x1x128xf32, #tpu.memory_space<vmem>>
    tpu.wait_dma2 semaphore(%arg10 : memref<!tpu.dma_semaphore, #tpu.memory_space<semaphore_mem>>) src(%dma_wait3A_142 : memref<1x48x1x128xf32, #tpu.memory_space<vmem>>) dst(%dma_wait3A_136 : memref<1x48x1x128xf32, #tpu.memory_space<hbm>>)
    %scan3A_143 = arith.constant 0 : i32
    %scan3A_144 = arith.constant 0 : i32
    %scan3A_145 = arith.constant 48 : i32
    %scan3A_146 = arith.addi %scan3A_144, %scan3A_145 : i32
    %scan3A_147 = arith.constant 1 : i32
    scf.for %scan3A_215 = %scan3A_144 to %scan3A_146 step %scan3A_147  : i32 {
      %get3A = arith.constant 0 : i32
      %get3A_216 = arith.constant 0 : i32
      %get3A_217 = arith.index_cast %get3A : i32 to index
      %get3A_218 = arith.index_cast %scan3A_215 : i32 to index
      %get3A_219 = arith.index_cast %get3A_216 : i32 to index
      %get3A_220 = arith.constant 0 : index
      %get3A_221 = tpu.vector_load %arg6[%get3A_217, %get3A_218, %get3A_219, %get3A_220] {strides = array<i32>} : memref<2x48x1x128xi32, #tpu.memory_space<vmem>>, vector<16xi32>,
      %broadcast_in_dim3A = arith.constant 0 : i32
      %broadcast_in_dim3A_222 = vector.broadcast %broadcast_in_dim3A : i32 to vector<16xi32>
      %gather3A = tpu.vector_load_idx %arg5[%broadcast_in_dim3A_222, %get3A_221] : memref<1x100000xf32, #tpu.memory_space<vmem>>[vector<16xi32>, vector<16xi32>], vector<16xf32>,
      %swap3A = arith.constant 0 : i32
      %swap3A_223 = arith.constant 0 : i32
      %swap3A_224 = arith.constant 0 : i32
      %swap3A_225 = arith.index_cast %swap3A : i32 to index
      %swap3A_226 = arith.index_cast %swap3A_223 : i32 to index
      %swap3A_227 = arith.index_cast %scan3A_215 : i32 to index
      %swap3A_228 = arith.index_cast %swap3A_224 : i32 to index
      %swap3A_229 = arith.constant 0 : index
      %swap3A_230 = tpu.vector_load %arg7[%swap3A_225, %swap3A_226, %swap3A_227, %swap3A_228, %swap3A_229] {strides = array<i32>} : memref<2x1x48x1x128xf32, #tpu.memory_space<vmem>>, vector<16xf32>,
      tpu.vector_store %arg7[%swap3A_225, %swap3A_226, %swap3A_227, %swap3A_228, %swap3A_229], %gather3A {strides = array<i32>} : memref<2x1x48x1x128xf32, #tpu.memory_space<vmem>>, vector<16xf32>,
      %get3A_231 = arith.constant 0 : i32
      %get3A_232 = arith.constant 0 : i32
      %get3A_233 = arith.index_cast %get3A_231 : i32 to index
      %get3A_234 = arith.index_cast %scan3A_215 : i32 to index
      %get3A_235 = arith.index_cast %get3A_232 : i32 to index
      %get3A_236 = arith.constant 16 : index
      %get3A_237 = tpu.vector_load %arg6[%get3A_233, %get3A_234, %get3A_235, %get3A_236] {strides = array<i32>} : memref<2x48x1x128xi32, #tpu.memory_space<vmem>>, vector<16xi32>,
      %broadcast_in_dim3A_238 = arith.constant 0 : i32
      %broadcast_in_dim3A_239 = vector.broadcast %broadcast_in_dim3A_238 : i32 to vector<16xi32>
      %gather3A_240 = tpu.vector_load_idx %arg5[%broadcast_in_dim3A_239, %get3A_237] : memref<1x100000xf32, #tpu.memory_space<vmem>>[vector<16xi32>, vector<16xi32>], vector<16xf32>,
      %swap3A_241 = arith.constant 0 : i32
      %swap3A_242 = arith.constant 0 : i32
      %swap3A_243 = arith.constant 0 : i32
      %swap3A_244 = arith.index_cast %swap3A_241 : i32 to index
      %swap3A_245 = arith.index_cast %swap3A_242 : i32 to index
      %swap3A_246 = arith.index_cast %scan3A_215 : i32 to index
      %swap3A_247 = arith.index_cast %swap3A_243 : i32 to index
      %swap3A_248 = arith.constant 16 : index
      %swap3A_249 = tpu.vector_load %arg7[%swap3A_244, %swap3A_245, %swap3A_246, %swap3A_247, %swap3A_248] {strides = array<i32>} : memref<2x1x48x1x128xf32, #tpu.memory_space<vmem>>, vector<16xf32>,
      tpu.vector_store %arg7[%swap3A_244, %swap3A_245, %swap3A_246, %swap3A_247, %swap3A_248], %gather3A_240 {strides = array<i32>} : memref<2x1x48x1x128xf32, #tpu.memory_space<vmem>>, vector<16xf32>,
      %get3A_250 = arith.constant 0 : i32
      %get3A_251 = arith.constant 0 : i32
      %get3A_252 = arith.index_cast %get3A_250 : i32 to index
      %get3A_253 = arith.index_cast %scan3A_215 : i32 to index
      %get3A_254 = arith.index_cast %get3A_251 : i32 to index
      %get3A_255 = arith.constant 32 : index
      %get3A_256 = tpu.vector_load %arg6[%get3A_252, %get3A_253, %get3A_254, %get3A_255] {strides = array<i32>} : memref<2x48x1x128xi32, #tpu.memory_space<vmem>>, vector<16xi32>,
      %broadcast_in_dim3A_257 = arith.constant 0 : i32
      %broadcast_in_dim3A_258 = vector.broadcast %broadcast_in_dim3A_257 : i32 to vector<16xi32>
      %gather3A_259 = tpu.vector_load_idx %arg5[%broadcast_in_dim3A_258, %get3A_256] : memref<1x100000xf32, #tpu.memory_space<vmem>>[vector<16xi32>, vector<16xi32>], vector<16xf32>,
      %swap3A_260 = arith.constant 0 : i32
      %swap3A_261 = arith.constant 0 : i32
      %swap3A_262 = arith.constant 0 : i32
      %swap3A_263 = arith.index_cast %swap3A_260 : i32 to index
      %swap3A_264 = arith.index_cast %swap3A_261 : i32 to index
      %swap3A_265 = arith.index_cast %scan3A_215 : i32 to index
      %swap3A_266 = arith.index_cast %swap3A_262 : i32 to index
      %swap3A_267 = arith.constant 32 : index
      %swap3A_268 = tpu.vector_load %arg7[%swap3A_263, %swap3A_264, %swap3A_265, %swap3A_266, %swap3A_267] {strides = array<i32>} : memref<2x1x48x1x128xf32, #tpu.memory_space<vmem>>, vector<16xf32>,
      tpu.vector_store %arg7[%swap3A_263, %swap3A_264, %swap3A_265, %swap3A_266, %swap3A_267], %gather3A_259 {strides = array<i32>} : memref<2x1x48x1x128xf32, #tpu.memory_space<vmem>>, vector<16xf32>,
      %get3A_269 = arith.constant 0 : i32
      %get3A_270 = arith.constant 0 : i32
      %get3A_271 = arith.index_cast %get3A_269 : i32 to index
      %get3A_272 = arith.index_cast %scan3A_215 : i32 to index
      %get3A_273 = arith.index_cast %get3A_270 : i32 to index
      %get3A_274 = arith.constant 48 : index
      %get3A_275 = tpu.vector_load %arg6[%get3A_271, %get3A_272, %get3A_273, %get3A_274] {strides = array<i32>} : memref<2x48x1x128xi32, #tpu.memory_space<vmem>>, vector<16xi32>,
      %broadcast_in_dim3A_276 = arith.constant 0 : i32
      %broadcast_in_dim3A_277 = vector.broadcast %broadcast_in_dim3A_276 : i32 to vector<16xi32>
      %gather3A_278 = tpu.vector_load_idx %arg5[%broadcast_in_dim3A_277, %get3A_275] : memref<1x100000xf32, #tpu.memory_space<vmem>>[vector<16xi32>, vector<16xi32>], vector<16xf32>,
      %swap3A_279 = arith.constant 0 : i32
      %swap3A_280 = arith.constant 0 : i32
      %swap3A_281 = arith.constant 0 : i32
      %swap3A_282 = arith.index_cast %swap3A_279 : i32 to index
      %swap3A_283 = arith.index_cast %swap3A_280 : i32 to index
      %swap3A_284 = arith.index_cast %scan3A_215 : i32 to index
      %swap3A_285 = arith.index_cast %swap3A_281 : i32 to index
      %swap3A_286 = arith.constant 48 : index
      %swap3A_287 = tpu.vector_load %arg7[%swap3A_282, %swap3A_283, %swap3A_284, %swap3A_285, %swap3A_286] {strides = array<i32>} : memref<2x1x48x1x128xf32, #tpu.memory_space<vmem>>, vector<16xf32>,
      tpu.vector_store %arg7[%swap3A_282, %swap3A_283, %swap3A_284, %swap3A_285, %swap3A_286], %gather3A_278 {strides = array<i32>} : memref<2x1x48x1x128xf32, #tpu.memory_space<vmem>>, vector<16xf32>,
      %get3A_288 = arith.constant 0 : i32
      %get3A_289 = arith.constant 0 : i32
      %get3A_290 = arith.index_cast %get3A_288 : i32 to index
      %get3A_291 = arith.index_cast %scan3A_215 : i32 to index
      %get3A_292 = arith.index_cast %get3A_289 : i32 to index
      %get3A_293 = arith.constant 64 : index
      %get3A_294 = tpu.vector_load %arg6[%get3A_290, %get3A_291, %get3A_292, %get3A_293] {strides = array<i32>} : memref<2x48x1x128xi32, #tpu.memory_space<vmem>>, vector<16xi32>,
      %broadcast_in_dim3A_295 = arith.constant 0 : i32
      %broadcast_in_dim3A_296 = vector.broadcast %broadcast_in_dim3A_295 : i32 to vector<16xi32>
      %gather3A_297 = tpu.vector_load_idx %arg5[%broadcast_in_dim3A_296, %get3A_294] : memref<1x100000xf32, #tpu.memory_space<vmem>>[vector<16xi32>, vector<16xi32>], vector<16xf32>,
      %swap3A_298 = arith.constant 0 : i32
      %swap3A_299 = arith.constant 0 : i32
      %swap3A_300 = arith.constant 0 : i32
      %swap3A_301 = arith.index_cast %swap3A_298 : i32 to index
      %swap3A_302 = arith.index_cast %swap3A_299 : i32 to index
      %swap3A_303 = arith.index_cast %scan3A_215 : i32 to index
      %swap3A_304 = arith.index_cast %swap3A_300 : i32 to index
      %swap3A_305 = arith.constant 64 : index
      %swap3A_306 = tpu.vector_load %arg7[%swap3A_301, %swap3A_302, %swap3A_303, %swap3A_304, %swap3A_305] {strides = array<i32>} : memref<2x1x48x1x128xf32, #tpu.memory_space<vmem>>, vector<16xf32>,
      tpu.vector_store %arg7[%swap3A_301, %swap3A_302, %swap3A_303, %swap3A_304, %swap3A_305], %gather3A_297 {strides = array<i32>} : memref<2x1x48x1x128xf32, #tpu.memory_space<vmem>>, vector<16xf32>,
      %get3A_307 = arith.constant 0 : i32
      %get3A_308 = arith.constant 0 : i32
      %get3A_309 = arith.index_cast %get3A_307 : i32 to index
      %get3A_310 = arith.index_cast %scan3A_215 : i32 to index
      %get3A_311 = arith.index_cast %get3A_308 : i32 to index
      %get3A_312 = arith.constant 80 : index
      %get3A_313 = tpu.vector_load %arg6[%get3A_309, %get3A_310, %get3A_311, %get3A_312] {strides = array<i32>} : memref<2x48x1x128xi32, #tpu.memory_space<vmem>>, vector<16xi32>,
      %broadcast_in_dim3A_314 = arith.constant 0 : i32
      %broadcast_in_dim3A_315 = vector.broadcast %broadcast_in_dim3A_314 : i32 to vector<16xi32>
      %gather3A_316 = tpu.vector_load_idx %arg5[%broadcast_in_dim3A_315, %get3A_313] : memref<1x100000xf32, #tpu.memory_space<vmem>>[vector<16xi32>, vector<16xi32>], vector<16xf32>,
      %swap3A_317 = arith.constant 0 : i32
      %swap3A_318 = arith.constant 0 : i32
      %swap3A_319 = arith.constant 0 : i32
      %swap3A_320 = arith.index_cast %swap3A_317 : i32 to index
      %swap3A_321 = arith.index_cast %swap3A_318 : i32 to index
      %swap3A_322 = arith.index_cast %scan3A_215 : i32 to index
      %swap3A_323 = arith.index_cast %swap3A_319 : i32 to index
      %swap3A_324 = arith.constant 80 : index
      %swap3A_325 = tpu.vector_load %arg7[%swap3A_320, %swap3A_321, %swap3A_322, %swap3A_323, %swap3A_324] {strides = array<i32>} : memref<2x1x48x1x128xf32, #tpu.memory_space<vmem>>, vector<16xf32>,
      tpu.vector_store %arg7[%swap3A_320, %swap3A_321, %swap3A_322, %swap3A_323, %swap3A_324], %gather3A_316 {strides = array<i32>} : memref<2x1x48x1x128xf32, #tpu.memory_space<vmem>>, vector<16xf32>,
      %get3A_326 = arith.constant 0 : i32
      %get3A_327 = arith.constant 0 : i32
      %get3A_328 = arith.index_cast %get3A_326 : i32 to index
      %get3A_329 = arith.index_cast %scan3A_215 : i32 to index
      %get3A_330 = arith.index_cast %get3A_327 : i32 to index
      %get3A_331 = arith.constant 96 : index
      %get3A_332 = tpu.vector_load %arg6[%get3A_328, %get3A_329, %get3A_330, %get3A_331] {strides = array<i32>} : memref<2x48x1x128xi32, #tpu.memory_space<vmem>>, vector<16xi32>,
      %broadcast_in_dim3A_333 = arith.constant 0 : i32
      %broadcast_in_dim3A_334 = vector.broadcast %broadcast_in_dim3A_333 : i32 to vector<16xi32>
      %gather3A_335 = tpu.vector_load_idx %arg5[%broadcast_in_dim3A_334, %get3A_332] : memref<1x100000xf32, #tpu.memory_space<vmem>>[vector<16xi32>, vector<16xi32>], vector<16xf32>,
      %swap3A_336 = arith.constant 0 : i32
      %swap3A_337 = arith.constant 0 : i32
      %swap3A_338 = arith.constant 0 : i32
      %swap3A_339 = arith.index_cast %swap3A_336 : i32 to index
      %swap3A_340 = arith.index_cast %swap3A_337 : i32 to index
      %swap3A_341 = arith.index_cast %scan3A_215 : i32 to index
      %swap3A_342 = arith.index_cast %swap3A_338 : i32 to index
      %swap3A_343 = arith.constant 96 : index
      %swap3A_344 = tpu.vector_load %arg7[%swap3A_339, %swap3A_340, %swap3A_341, %swap3A_342, %swap3A_343] {strides = array<i32>} : memref<2x1x48x1x128xf32, #tpu.memory_space<vmem>>, vector<16xf32>,
      tpu.vector_store %arg7[%swap3A_339, %swap3A_340, %swap3A_341, %swap3A_342, %swap3A_343], %gather3A_335 {strides = array<i32>} : memref<2x1x48x1x128xf32, #tpu.memory_space<vmem>>, vector<16xf32>,
      %get3A_345 = arith.constant 0 : i32
      %get3A_346 = arith.constant 0 : i32
      %get3A_347 = arith.index_cast %get3A_345 : i32 to index
      %get3A_348 = arith.index_cast %scan3A_215 : i32 to index
      %get3A_349 = arith.index_cast %get3A_346 : i32 to index
      %get3A_350 = arith.constant 112 : index
      %get3A_351 = tpu.vector_load %arg6[%get3A_347, %get3A_348, %get3A_349, %get3A_350] {strides = array<i32>} : memref<2x48x1x128xi32, #tpu.memory_space<vmem>>, vector<16xi32>,
      %broadcast_in_dim3A_352 = arith.constant 0 : i32
      %broadcast_in_dim3A_353 = vector.broadcast %broadcast_in_dim3A_352 : i32 to vector<16xi32>
      %gather3A_354 = tpu.vector_load_idx %arg5[%broadcast_in_dim3A_353, %get3A_351] : memref<1x100000xf32, #tpu.memory_space<vmem>>[vector<16xi32>, vector<16xi32>], vector<16xf32>,
      %swap3A_355 = arith.constant 0 : i32
      %swap3A_356 = arith.constant 0 : i32
      %swap3A_357 = arith.constant 0 : i32
      %swap3A_358 = arith.index_cast %swap3A_355 : i32 to index
      %swap3A_359 = arith.index_cast %swap3A_356 : i32 to index
      %swap3A_360 = arith.index_cast %scan3A_215 : i32 to index
      %swap3A_361 = arith.index_cast %swap3A_357 : i32 to index
      %swap3A_362 = arith.constant 112 : index
      %swap3A_363 = tpu.vector_load %arg7[%swap3A_358, %swap3A_359, %swap3A_360, %swap3A_361, %swap3A_362] {strides = array<i32>} : memref<2x1x48x1x128xf32, #tpu.memory_space<vmem>>, vector<16xf32>,
      tpu.vector_store %arg7[%swap3A_358, %swap3A_359, %swap3A_360, %swap3A_361, %swap3A_362], %gather3A_354 {strides = array<i32>} : memref<2x1x48x1x128xf32, #tpu.memory_space<vmem>>, vector<16xf32>,
    }
    %scan3A_148 = arith.constant 48 : i32
    %sub3A_149 = arith.constant 48 : i32
    %sub3A_150 = arith.subi %sub3A_77, %sub3A_149 : i32
    %min3A_151 = arith.constant 1536 : i32
    %min3A_152 = arith.minsi %min3A_151, %sub3A_150 : i32
    %add3A_153 = arith.addi %add3A_74, %min3A_152 : i32
    %dma_start3A_154 = arith.constant 0 : i32
    %dma_start3A_155 = arith.constant 0 : i32
    %dma_start3A_156 = arith.constant 0 : i32
    %dma_start3A_157 = arith.constant 0 : i32
    %dma_start3A_158 = arith.constant 0 : i32
    %dma_start3A_159 = tpu.memref_slice %arg7[%dma_start3A_154, %dma_start3A_155, %dma_start3A_156, %dma_start3A_157, %dma_start3A_158] : memref<2x1x48x1x128xf32, #tpu.memory_space<vmem>> -> memref<1x1x48x1x128xf32, #tpu.memory_space<vmem>>
    %dma_start3A_160 = tpu.memref_squeeze %dma_start3A_159 : memref<1x1x48x1x128xf32, #tpu.memory_space<vmem>> -> memref<1x48x1x128xf32, #tpu.memory_space<vmem>>
    %dma_start3A_161 = arith.constant 0 : i32
    %dma_start3A_162 = tpu.memref_slice %arg4[%select_n3A, %add3A_153, %select_n3A_54, %dma_start3A_161] : memref<4x6250x2x128xf32, #tpu.memory_space<hbm>> -> memref<1x48x1x128xf32, #tpu.memory_space<hbm>>
    %dma_start3A_163 = arith.constant 0 : i32
    %dma_start3A_164 = tpu.memref_slice %arg4[%select_n3A, %add3A_153, %select_n3A_54, %dma_start3A_163] : memref<4x6250x2x128xf32, #tpu.memory_space<hbm>> -> memref<1x48x1x128xf32, #tpu.memory_space<hbm>>
    %dma_start3A_165 = arith.constant 0 : i32
    %dma_start3A_166 = arith.constant 0 : i32
    %dma_start3A_167 = arith.constant 0 : i32
    %dma_start3A_168 = arith.constant 0 : i32
    %dma_start3A_169 = tpu.memref_slice %arg7[%dma_start3A_154, %dma_start3A_165, %dma_start3A_166, %dma_start3A_167, %dma_start3A_168] : memref<2x1x48x1x128xf32, #tpu.memory_space<vmem>> -> memref<1x1x48x1x128xf32, #tpu.memory_space<vmem>>
    %dma_start3A_170 = tpu.memref_squeeze %dma_start3A_169 : memref<1x1x48x1x128xf32, #tpu.memory_space<vmem>> -> memref<1x48x1x128xf32, #tpu.memory_space<vmem>>
    tpu.enqueue_dma source(%dma_start3A_170 : memref<1x48x1x128xf32, #tpu.memory_space<vmem>>) target(%dma_start3A_164 : memref<1x48x1x128xf32, #tpu.memory_space<hbm>>) target_semaphore(%arg10 : memref<!tpu.dma_semaphore, #tpu.memory_space<semaphore_mem>>)
    %sub3A_171 = arith.constant 48 : i32
    %sub3A_172 = arith.subi %sub3A_77, %sub3A_171 : i32
    %min3A_173 = arith.constant 1488 : i32
    %min3A_174 = arith.minsi %min3A_173, %sub3A_172 : i32
    %add3A_175 = arith.addi %add3A_74, %min3A_174 : i32
    %dma_wait3A_176 = arith.constant 1 : i32
    %dma_wait3A_177 = arith.constant 0 : i32
    %dma_wait3A_178 = arith.constant 0 : i32
    %dma_wait3A_179 = arith.constant 0 : i32
    %dma_wait3A_180 = arith.constant 0 : i32
    %dma_wait3A_181 = tpu.memref_slice %arg7[%dma_wait3A_176, %dma_wait3A_177, %dma_wait3A_178, %dma_wait3A_179, %dma_wait3A_180] : memref<2x1x48x1x128xf32, #tpu.memory_space<vmem>> -> memref<1x1x48x1x128xf32, #tpu.memory_space<vmem>>
    %dma_wait3A_182 = tpu.memref_squeeze %dma_wait3A_181 : memref<1x1x48x1x128xf32, #tpu.memory_space<vmem>> -> memref<1x48x1x128xf32, #tpu.memory_space<vmem>>
    %dma_wait3A_183 = arith.constant 0 : i32
    %dma_wait3A_184 = tpu.memref_slice %arg4[%select_n3A, %add3A_175, %select_n3A_54, %dma_wait3A_183] : memref<4x6250x2x128xf32, #tpu.memory_space<hbm>> -> memref<1x48x1x128xf32, #tpu.memory_space<hbm>>
    %dma_wait3A_185 = arith.constant 0 : i32
    %dma_wait3A_186 = tpu.memref_slice %arg4[%select_n3A, %add3A_175, %select_n3A_54, %dma_wait3A_185] : memref<4x6250x2x128xf32, #tpu.memory_space<hbm>> -> memref<1x48x1x128xf32, #tpu.memory_space<hbm>>
    %dma_wait3A_187 = arith.constant 0 : i32
    %dma_wait3A_188 = arith.constant 0 : i32
    %dma_wait3A_189 = arith.constant 0 : i32
    %dma_wait3A_190 = arith.constant 0 : i32
    %dma_wait3A_191 = tpu.memref_slice %arg7[%dma_wait3A_176, %dma_wait3A_187, %dma_wait3A_188, %dma_wait3A_189, %dma_wait3A_190] : memref<2x1x48x1x128xf32, #tpu.memory_space<vmem>> -> memref<1x1x48x1x128xf32, #tpu.memory_space<vmem>>
    %dma_wait3A_192 = tpu.memref_squeeze %dma_wait3A_191 : memref<1x1x48x1x128xf32, #tpu.memory_space<vmem>> -> memref<1x48x1x128xf32, #tpu.memory_space<vmem>>
    tpu.wait_dma2 semaphore(%arg11 : memref<!tpu.dma_semaphore, #tpu.memory_space<semaphore_mem>>) src(%dma_wait3A_192 : memref<1x48x1x128xf32, #tpu.memory_space<vmem>>) dst(%dma_wait3A_186 : memref<1x48x1x128xf32, #tpu.memory_space<hbm>>)
    %sub3A_193 = arith.constant 48 : i32
    %sub3A_194 = arith.subi %sub3A_77, %sub3A_193 : i32
    %min3A_195 = arith.constant 1536 : i32
    %min3A_196 = arith.minsi %min3A_195, %sub3A_194 : i32
    %add3A_197 = arith.addi %add3A_74, %min3A_196 : i32
    %dma_wait3A_198 = arith.constant 0 : i32
    %dma_wait3A_199 = arith.constant 0 : i32
    %dma_wait3A_200 = arith.constant 0 : i32
    %dma_wait3A_201 = arith.constant 0 : i32
    %dma_wait3A_202 = arith.constant 0 : i32
    %dma_wait3A_203 = tpu.memref_slice %arg7[%dma_wait3A_198, %dma_wait3A_199, %dma_wait3A_200, %dma_wait3A_201, %dma_wait3A_202] : memref<2x1x48x1x128xf32, #tpu.memory_space<vmem>> -> memref<1x1x48x1x128xf32, #tpu.memory_space<vmem>>
    %dma_wait3A_204 = tpu.memref_squeeze %dma_wait3A_203 : memref<1x1x48x1x128xf32, #tpu.memory_space<vmem>> -> memref<1x48x1x128xf32, #tpu.memory_space<vmem>>
    %dma_wait3A_205 = arith.constant 0 : i32
    %dma_wait3A_206 = tpu.memref_slice %arg4[%select_n3A, %add3A_197, %select_n3A_54, %dma_wait3A_205] : memref<4x6250x2x128xf32, #tpu.memory_space<hbm>> -> memref<1x48x1x128xf32, #tpu.memory_space<hbm>>
    %dma_wait3A_207 = arith.constant 0 : i32
    %dma_wait3A_208 = tpu.memref_slice %arg4[%select_n3A, %add3A_197, %select_n3A_54, %dma_wait3A_207] : memref<4x6250x2x128xf32, #tpu.memory_space<hbm>> -> memref<1x48x1x128xf32, #tpu.memory_space<hbm>>
    %dma_wait3A_209 = arith.constant 0 : i32
    %dma_wait3A_210 = arith.constant 0 : i32
    %dma_wait3A_211 = arith.constant 0 : i32
    %dma_wait3A_212 = arith.constant 0 : i32
    %dma_wait3A_213 = tpu.memref_slice %arg7[%dma_wait3A_198, %dma_wait3A_209, %dma_wait3A_210, %dma_wait3A_211, %dma_wait3A_212] : memref<2x1x48x1x128xf32, #tpu.memory_space<vmem>> -> memref<1x1x48x1x128xf32, #tpu.memory_space<vmem>>
    %dma_wait3A_214 = tpu.memref_squeeze %dma_wait3A_213 : memref<1x1x48x1x128xf32, #tpu.memory_space<vmem>> -> memref<1x48x1x128xf32, #tpu.memory_space<vmem>>
    tpu.wait_dma2 semaphore(%arg10 : memref<!tpu.dma_semaphore, #tpu.memory_space<semaphore_mem>>) src(%dma_wait3A_214 : memref<1x48x1x128xf32, #tpu.memory_space<vmem>>) dst(%dma_wait3A_208 : memref<1x48x1x128xf32, #tpu.memory_space<hbm>>)
    return
  }
}

</mosaic_0001>

<sc_bundles>
// kernel: _grid_gather.3.cloned.1.call-start
scs
__scs_entry_jumppad:
0x0: {  	(pc) =	sbr.rel $0x88, $3  }
0x1: {  	(tag) =	ssettag $0x0;
	lr =	simm.s32 $0x1  }
0x2: {  	[smem:$0x3F9F] =	sst lr;
	_ =	strace $0xD0000000  }
0x3: {  	_ = 	snop  }
0x4: {  	_ = 	snop  }
0x5: {  	_ = 	snop  }
0x6: {  	_ = 	snop  }
0x7: {  	_ = 	snop  }
__scs_overlays_trampoline_lowered:
0x8: {  	[smem:$0x3FAE] =	sst s0  }
0x9: {  	[smem:$0x3FAF] =	sst s1  }
0xa: {  	[smem:$0x3FB0] =	sst s2  }
0xb: {  	[smem:$0x3FB1] =	sst s3  }
0xc: {  	[smem:$0x3FB2] =	sst s4  }
0xd: {  	[smem:$0x3FB3] =	sst s5  }
0xe: {  	[smem:$0x3FB4] =	sst s6  }
0xf: {  	[smem:$0x3FB5] =	sst s7  }
0x10: {  	[smem:$0x3FB6] =	sst s8  }
0x11: {  	[smem:$0x3FB7] =	sst s9;
	s0 =	simm.s32 @!p0 $0x0  }
0x12: {  	s1 =	sld [smem:$0x3F9D];
	s0 =	simm.s32 @p0 $0x1  }
0x13: {  	[smem:$0x3FB8] =	sst s0;
	s0 =	simm.s32 @!p1 $0x0  }
0x14: {  	s2 =	sld [smem:$0x3F9C];
	s0 =	simm.s32 @p1 $0x1  }
0x15: {  	[smem:$0x3FB9] =	sst s0;
	s0 =	simm.s32 @!p2 $0x0  }
0x16: {  	s3 =	sld [smem:$0x3FDB];
	s0 =	simm.s32 @p2 $0x1  }
0x17: {  	s4 =	simm.s32 $0x1BF5;
	[smem:$0x3FBB] =	sst s0  }
0x18: {  	s0 =	sld [smem:$0x3F9E];
	_ =	swait.ge [sflag:s4], $0x0  }
0x19: {  	s7 =	sld [smem:$0x3F9F]  }
0x1a: {  	s8 =	sadd.s32 $0xFFFFE003, lr  }
0x1b: {  	s9 =	sadd.s32 $0xFFFFFEF7, lr;
	s5 =	simm.s32 $0xFFFFFFFF;
	p2 =	slt.u32 s8, $0xFFFFF086  }
0x1c: {  	p1 =	slt.u32 s9, $0xF7A;
	s5 =	simm.s32 @!p2 $0x0  }
0x1d: {  	s5 =	simm.s32 @p1 $0x1;
	p0 =	seq.s32 s7, s2  }
0x1e: {  	s7 =	smul.u32 @!p0 $0xF7A, s2;
	p2 =	seq.s32 @!p0 s5, $0x0  }
0x1f: {  	s9 =	smul.u32 $0xF7A, s1;
	s8 =	simm.s32 @!p0 $0x1BF5;
	p2 =	por !p2, p0  }
0x20: {  	[sflag:s8] =	ssyncset.s32 @!p0 $0xFFFFF086;
	s6 =	sadd.s32 @!p0 s3, s7;
	s7 =	simm.s32 @!p0 $0x108  }
0x21: {  	s3 =	sadd.s32 s3, s9;
	s6 =	sadd.s32 @!p0 $0x88, s6;
	s7 =	simm.s32 @p2 $0x1082  }
0x22: {  	[simem:s7], [sflag:s8] =	dma.local @!p0 [hbm:s6], $0xF7A  }
0x23: {  	s9 =	sor.u32 $0xD0000000, s2;
	s6 =	simm.s32 $0x108;
	_ =	swait.ge @!p0 [sflag:s8], $0x0  }
0x24: {  	s3 =	sadd.s32 $0x88, s3;
	s6 =	simm.s32 @!p1 $0x1082;
	[sflag:s4] =	ssyncset.s32 $0xFFFFF086  }
0x25: {  	[simem:s6], [sflag:s4] =	dma.local [hbm:s3], $0xF7A  }
0x26: {  	[smem:$0x3F9F] =	sst s1;
	(tag) =	ssettag s2;
	_ =	strace s9  }
0x27: {  	s1 =	sld [smem:$0x3FAF]  }
0x28: {  	s2 =	sld [smem:$0x3FB0]  }
0x29: {  	s4 =	sld [smem:$0x3FB2]  }
0x2a: {  	p0 =	seq.s32 s5, $0x0;
	s5 =	sld [smem:$0x3FB3]  }
0x2b: {  	s6 =	sld [smem:$0x3FB4]  }
0x2c: {  	s7 =	sld [smem:$0x3FB5]  }
0x2d: {  	s3 =	simm.s32 $0x108;
	s8 =	sld [smem:$0x3FB6]  }
0x2e: {  	s3 =	simm.s32 @!p0 $0x1082;
	s9 =	sld [smem:$0x3FB7]  }
0x2f: {  	lr =	sadd.s32 s0, s3;
	s0 =	sld [smem:$0x3FAE]  }
0x30: {  	s3 =	sld [smem:$0x3FB1]  }
0x31: {  	[smem:$0x3FBA] =	sst s10  }
0x32: {  	s10 =	sld [smem:$0x3FB8];
	_ =	sdelay $0x3  }
0x33: {  	p0 =	seq.s32 s10, $0x1;
	s10 =	sld [smem:$0x3FBA];
	_ =	sdelay $0x3  }
0x34: {  	[smem:$0x3FBA] =	sst s10  }
0x35: {  	s10 =	sld [smem:$0x3FB9];
	_ =	sdelay $0x3  }
0x36: {  	p1 =	seq.s32 s10, $0x1;
	s10 =	sld [smem:$0x3FBA];
	_ =	sdelay $0x3  }
0x37: {  	[smem:$0x3FBA] =	sst s10  }
0x38: {  	s10 =	sld [smem:$0x3FBB]  }
0x39: {  	_ = 	snop;
	(pc) =	sbr.ind lr, $3  }
0x3a: {  	_ = 	snop  }
0x3b: {  	_ = 	snop  }
0x3c: {  	p2 =	seq.s32 s10, $0x1;
	s10 =	sld [smem:$0x3FBA]  }
0x3d: {  	_ =	shalt  }
0x3e: {  	_ =	shalt  }
0x3f: {  	_ =	shalt  }
0x40: {  	_ =	shalt  }
0x41: {  	_ =	shalt  }
0x42: {  	_ =	shalt  }
0x43: {  	_ =	shalt  }
0x44: {  	_ =	shalt  }
0x45: {  	_ =	shalt  }
0x46: {  	_ =	shalt  }
0x47: {  	_ =	shalt  }
0x48: {  	_ =	shalt  }
0x49: {  	_ =	shalt  }
0x4a: {  	_ =	shalt  }
0x4b: {  	_ =	shalt  }
0x4c: {  	_ =	shalt  }
0x4d: {  	_ =	shalt  }
0x4e: {  	_ =	shalt  }
0x4f: {  	_ =	shalt  }
0x50: {  	_ =	shalt  }
0x51: {  	_ =	shalt  }
0x52: {  	_ =	shalt  }
0x53: {  	_ =	shalt  }
0x54: {  	_ =	shalt  }
0x55: {  	_ =	shalt  }
0x56: {  	_ =	shalt  }
0x57: {  	_ =	shalt  }
0x58: {  	_ =	shalt  }
0x59: {  	_ =	shalt  }
0x5a: {  	_ =	shalt  }
0x5b: {  	_ =	shalt  }
0x5c: {  	_ =	shalt  }
0x5d: {  	_ =	shalt  }
0x5e: {  	_ =	shalt  }
0x5f: {  	_ =	shalt  }
0x60: {  	_ =	shalt  }
0x61: {  	_ =	shalt  }
0x62: {  	_ =	shalt  }
0x63: {  	_ =	shalt  }
0x64: {  	_ =	shalt  }
0x65: {  	_ =	shalt  }
0x66: {  	_ =	shalt  }
0x67: {  	_ =	shalt  }
0x68: {  	_ =	shalt  }
0x69: {  	_ =	shalt  }
0x6a: {  	_ =	shalt  }
0x6b: {  	_ =	shalt  }
0x6c: {  	_ =	shalt  }
0x6d: {  	_ =	shalt  }
0x6e: {  	_ =	shalt  }
0x6f: {  	_ =	shalt  }
0x70: {  	_ =	shalt  }
0x71: {  	_ =	shalt  }
0x72: {  	_ =	shalt  }
0x73: {  	_ =	shalt  }
0x74: {  	_ =	shalt  }
0x75: {  	_ =	shalt  }
0x76: {  	_ =	shalt  }
0x77: {  	_ =	shalt  }
0x78: {  	_ =	shalt  }
0x79: {  	_ =	shalt  }
0x7a: {  	_ =	shalt  }
0x7b: {  	_ =	shalt  }
0x7c: {  	_ =	shalt  }
0x7d: {  	_ =	shalt  }
0x7e: {  	_ =	shalt  }
0x7f: {  	_ =	shalt  }
0x80: {  	_ =	shalt  }
0x81: {  	_ =	shalt  }
0x82: {  	_ =	shalt  }
0x83: {  	_ =	shalt  }
0x84: {  	_ =	shalt  }
0x85: {  	_ =	shalt  }
0x86: {  	_ =	shalt  }
0x87: {  	_ =	shalt  }
.Lfunc_end0:
.L_simem_size_0:
called_computation_lowered:
.L_overlay_start_0:
0x88: {  	s2 =	sld [smem:$0x3FD9]  }
0x89: {  	s3 =	sld [smem:$0x3FFE];
	_ =	sdelay $0x1  }
0x8a: {  	s1 =	srdreg.scid  }
0x8b: {  	s0 =	sand.u32 $0x1, s1  }
0x8c: {  	s17 =	sshll.u32 s0, $0xA;
	s2 =	sadd.s32 s3, s2  }
0x8d: {  	s2 =	sadd.s32 s2, s17  }
0x8e: {  	[smem:$0x3FC6] =	sst s2  }
0x8f: {  	_ = 	snop  }
0x90: {  	s2 =	sld [smem:$0x3FC9]  }
0x91: {  	s18 =	sld [smem:$0x3FD0];
	(tm) =	ssettm $0x1  }
0x92: {  	s4 =	sld [smem:$0x3FFB];
	_ =	sdelay $0x3  }
0x93: {  	_ =	strace s4  }
0x94: {  	s4 =	sld [smem:$0x3FFC];
	_ =	sdelay $0x3  }
0x95: {  	_ =	strace s4  }
0x96: {  	s4 =	sld [smem:$0x3FFD];
	_ =	sdelay $0x3  }
0x97: {  	_ =	strace s4  }
0x98: {  	_ =	strace $0x8FFFFFFF  }
0x99: {  	s19 =	sld [smem:$0x3FDB];
	_ =	sdelay $0x1  }
0x9a: {  	s5 =	simm.s32 $_scs_section_size  }
0x9b: {  	s6 =	simm.s32 $_size__tile_overlayer_lowered;
	s7 =	simm.s32 $_tile_overlayer_lowered  }
0x9c: {  	s22 =	simm.s32 $0x1BFF;
	s21 =	sshll.u32 s7, $0x1;
	s4 =	sadd.s32 s5, s19  }
0x9d: {  	s8 =	simm.s32 $0x0;
	s20 =	sshll.u32 s6, $0x1;
	s6 =	sadd.s32 s21, s4  }
0x9e: {  	[timem:s8], [sflag:s22] =	dma.local [hbm:s6], s20  }
0x9f: {  	_ =	swait.ge [sflag:s22], s20  }
0xa0: {  	s5 =	ssub.s32 $0x0, s20;
	[sflag:s22] =	ssyncset.done $0x0  }
0xa1: {  	[sflag:s22] =	ssyncadd.s32 s5;
	_ =	sdelay $0x1  }
0xa2: {  	s23 =	simm.s32 $0x1B8B  }
0xa3: {  	_ =	swait.ge [sflag:s23], $0x1  }
0xa4: {  	[sflag:s23] =	ssyncset.done $0x0  }
0xa5: {  	s25 =	simm.s32 $0x1B8E;
	s24 =	sld [smem:$0x3FFE];
	[sflag:s23] =	ssyncadd.s32 $0xFFFFFFFF  }
0xa6: {  	s26 =	simm.s32 $execute0_lowered;
	[smem:$0x3FD2] =	sst s25  }
0xa7: {  	s6 =	sshll.u32 s26, $0x1;
	_ =	strace $0x80000046;
	[dreg:$0x1] =	wrdreg $0xFFFFFFFF  }
0xa8: {  	s28 =	simm.s32 $_size_execute0_lowered;
	s4 =	sadd.s32 s4, s6;
	[dreg:$0x0] =	wrdreg $0x0  }
0xa9: {  	s6 =	sshll.u32 s28, $0x1;
	[dreg:$0x2] =	wrdreg s4  }
0xaa: {  	[dreg:$0x3] =	wrdreg s6  }
0xab: {  	[dreg:$0x4] =	wrdreg $0xC0  }
0xac: {  	_ =	task [dreg:s8], $0x5FFFF  }
0xad: {  	[dreg:$0x1] =	wrdreg $0xFFFFFFFF  }
0xae: {  	[dreg:$0x0] =	wrdreg $0x60  }
0xaf: {  	[dreg:$0x2] =	wrdreg s2  }
0xb0: {  	[dreg:$0x3] =	wrdreg s24  }
0xb1: {  	[dreg:$0x4] =	wrdreg s18  }
0xb2: {  	[dreg:$0x5] =	wrdreg $0x9  }
0xb3: {  	_ =	task.clear_ibuf [dreg:s8], $0x6FFFF;
	_ =	strace $0x90000046  }
0xb4: {  	s29 =	simm.s32 $0x9;
	_ =	strace $0x80000048  }
0xb5: {  	_ =	swait.ge [sflag:s29], $0x1  }
0xb6: {  	[sflag:s29] =	ssyncadd.s32 $0xFFFFFFFF  }
0xb7: {  	_ =	strace $0x90000048  }
0xb8: {  	_ =	sfence  }
0xb9: {  	s30 =	sld [smem:$0x0];
	_ =	sdelay $0x2  }
0xba: {  	s31 =	sshll.u32 s1, $0xD;
	s1 =	sshrl.u32 s1, $0x2  }
0xbb: {  	s3 =	sand.u32 $0x4000, s31;
	s1 =	sadd.s32 s1, s30  }
0xbc: {  	s0 =	sor.u32 s3, s0;
	s1 =	sshll.u32 s1, $0x11  }
0xbd: {  	s0 =	sor.u32 s1, s0  }
0xbe: {  	s0 =	sadd.s32 $0x8F2B, s0  }
0xbf: {  	[sflag:s0] =	ssyncadd.remote.s32 $0x1  }
0xc0: {  	_ =	sfence.sel $0xFFFF  }
0xc1: {  	[dreg:$0x0] =	wrdreg $0xFFFFFFFF;
	(pc) =	sbr.abs _section_cstart, $3  }
0xc2: {  	[dreg:$0x1] =	wrdreg $0xFFFFFFFF  }
0xc3: {  	_ =	task.clear_ibuf [dreg:s8], $0x2FFFF;
	_ =	strace $0x9FFFFFFF  }
0xc4: {  	(tm) =	ssettm $0x7FFFFFFF  }
0xc5: {  	_ =	shalt  }
tec
execute0_lowered:
.L_overlay_start_1:
0x0: {  	(tag) =	ssettag $0x1  }
0x1: {  	s1 =	rddreg [dreg:$0x0]  }
0x2: {  	s0 =	rddreg [dreg:$0x1]  }
0x3: {  	s3 =	rddreg [dreg:$0x2];
	s4 =	simm.s32 $0x0  }
0x4: {  	s12 =	stileid.u32;
	s5 =	srdreg.scid;
	s14 =	simm.s32 $0x5  }
0x5: {  	s15 =	simm.s32 $0x80;
	s16 =	simm.s32 $0x200;
	s17 =	simm.s32 $0x186A0  }
0x6: {  	s18 =	simm.s32 $0x19EA0;
	s19 =	simm.s32 $0x1;
	s20 =	simm.s32 $0x100  }
0x7: {  	s21 =	simm.s32 $0x1B6A0;
	s22 =	simm.s32 $0x2;
	s23 =	simm.s32 $0x1CEA0  }
0x8: {  	[smem:$0x7FF] =	sst s4;
	s2 =	sshll.u32 s12, $0x1E;
	s6 =	sshll.u32 s12, $0x1  }
0x9: {  	s5 =	sand.u32 $0x1, s5;
	s9 =	sshrl.u32 s12, $0x2;
	s12 =	sand.u32 $0x2, s12  }
0xa: {  	s2 =	sshra.s32 s2, $0x1F;
	s6 =	sand.u32 $0x2, s6;
	_ =	strace $0x80000047  }
0xb: {  	s24 =	ssub.s32 $0x2, s5;
	s10 =	smul.u32 $0x186A00, s9;
	s12 =	sshll.u32 s12, $0x6  }
0xc: {  	s2 =	sand.u32 $0x30D4, s2;
	s7 =	sor.u32 s5, s6;
	p0 =	seq.s32 s6, $0x0  }
0xd: {  	s5 =	simm.s32 $0x5EB;
	s25 =	sshrl.u32 s24, $0x1;
	s8 =	smul.u32 $0x61A, s7  }
0xe: {  	s0 =	sadd.s32 s2, s0;
	s7 =	smin.u32 s7, $0x2;
	s5 =	simm.s32 @!p0 $0x5EA  }
0xf: {  	s2 =	ssub.s32 s24, s25;
	s24 =	simm.s32 $0x3;
	s6 =	sadd.s32 s7, s8  }
0x10: {  	s25 =	simm.s32 $0x4;
	s0 =	sadd.s32 $0x400, s0;
	s11 =	sadd.s32 s5, s6  }
0x11: {  	s7 =	sshll.u32 s9, $0x7;
	s28 =	sshll.u32 s6, $0x9;
	s26 =	sshll.u32 s11, $0x8  }
0x12: {  	[dreg:$0x4] =	wrdreg s0;
	s29 =	sor.u32 s7, s28;
	s9 =	sadd.s32 s10, s26  }
0x13: {  	s13 =	sadd.s32 $0x30, s6;
	s30 =	sshrl.u32 s29, $0x3;
	s9 =	sor.u32 s12, s9  }
0x14: {  	s10 =	sor.u32 s12, s10;
	s26 =	simm.s32 $0x0;
	s31 =	sshrl.u32 s9, $0x3  }
0x15: {  	s12 =	smax.u32 s2, $0x1;
	s9 =	sadd.s32 s1, s30;
	s11 =	sadd.s32 s3, s31  }
.LBB2_1:
0x16: {  	s0 =	rddreg [dreg:$0x4]  }
0x17: {  	[tilespmem:s4], [sflag:$0x5] =	stream.linear.gather [hbm4b:s0+s4], $0x186A0, $0x38;
	[tilespmem:$0x1E6A0] =	vst v63  }
0x18: {  	_ =	swait.ge [sflag:s14], $0x186A0  }
0x19: {  	[sflag:s14] =	ssyncset.done $0x0  }
0x1a: {  	s28 =	simm.s32 $0x0;
	[sflag:s14] =	ssyncadd.s32 $0xFFFE7960  }
0x1b: {  	[tilespmem:s17], [sflag:$0x1] =	stream.strided.gather [hbm4b:s9+s15], $0x1800, s16, s15, $0x38;
	[tilespmem:$0x1E6A0] =	vst v63  }
.LBB2_2:
0x1c: {  	s30 =	smul.u32 $0x60, s28;
	_ =	sdelay $0x1  }
0x1d: {  	s29 =	sadd.s32 s13, s30  }
0x1e: {  	s0 =	sshll.u32 s29, $0x9  }
0x1f: {  	s0 =	sor.u32 s7, s0  }
0x20: {  	s0 =	sshrl.u32 s0, $0x3  }
0x21: {  	s0 =	sadd.s32 s1, s0  }
0x22: {  	[tilespmem:s18], [sflag:$0x2] =	stream.strided.gather [hbm4b:s0+s15], $0x1800, s16, s15, $0x38;
	[tilespmem:$0x1E6A0] =	vst v63  }
0x23: {  	_ =	swait.ge [sflag:s19], $0x1800  }
0x24: {  	p0 =	seq.s32 s28, $0x0;
	[sflag:s19] =	ssyncset.done $0x0  }
0x25: {  	s0 =	simm.s32 @!p0 $0x3;
	[sflag:s19] =	ssyncadd.s32 $0xFFFFE800  }
0x26: {  	_ =	swait.ge @!p0 [sflag:s0], $0x1800  }
0x27: {  	[sflag:s0] =	ssyncset.done @!p0 $0x0  }
0x28: {  	[sflag:s0] =	ssyncadd.s32 @!p0 $0xFFFFE800;
	s0 =	simm.s32 $0x0  }
0x29: {  	v0 =	vld [tilespmem:s0+$0x186A0];
	_ =	sdelay $0x5  }
0x2a: {  	v1 =	vld [tilespmem:s0+$0x186B0];
	_ =	sdelay $0x1  }
0x2b: {  	v0 =	vld.idx.msk [tilespmem:v0+s4+$0x0], $0xffff;
	_ =	sdelay $0x4  }
0x2c: {  	[tilespmem:s0+$0x1B6A0] =	vst v0;
	v0 =	vld [tilespmem:s0+$0x186C0]  }
0x2d: {  	v1 =	vld.idx.msk [tilespmem:v1+s4+$0x0], $0xffff;
	_ =	sdelay $0x4  }
0x2e: {  	[tilespmem:s0+$0x1B6B0] =	vst v1;
	v1 =	vld [tilespmem:s0+$0x186D0];
	_ =	sdelay $0x1  }
0x2f: {  	v0 =	vld.idx.msk [tilespmem:v0+s4+$0x0], $0xffff;
	_ =	sdelay $0x4  }
0x30: {  	[tilespmem:s0+$0x1B6C0] =	vst v0;
	v0 =	vld [tilespmem:s0+$0x186E0]  }
0x31: {  	v1 =	vld.idx.msk [tilespmem:v1+s4+$0x0], $0xffff;
	_ =	sdelay $0x4  }
0x32: {  	[tilespmem:s0+$0x1B6D0] =	vst v1;
	v1 =	vld [tilespmem:s0+$0x186F0];
	_ =	sdelay $0x1  }
0x33: {  	v0 =	vld.idx.msk [tilespmem:v0+s4+$0x0], $0xffff;
	_ =	sdelay $0x4  }
0x34: {  	v2 =	vld [tilespmem:s0+$0x18700];
	[tilespmem:s0+$0x1B6E0] =	vst v0  }
0x35: {  	v0 =	vld.idx.msk [tilespmem:v1+s4+$0x0], $0xffff;
	_ =	sdelay $0x4  }
0x36: {  	[tilespmem:s0+$0x1B6F0] =	vst v0;
	v0 =	vld [tilespmem:s0+$0x18710];
	_ =	sdelay $0x1  }
0x37: {  	v1 =	vld.idx.msk [tilespmem:v2+s4+$0x0], $0xffff;
	_ =	sdelay $0x3  }
0x38: {  	s8 =	simm.s32 $0x80;
	s2 =	simm.s32 $0x400;
	s31 =	sadd.s32 s6, s30  }
.LBB2_3:
0x39: {  	p1 =	sne.s32 s2, $0x5E00;
	v2 =	vld [tilespmem:s8+$0x186A0];
	[tilespmem:s0+$0x1B700] =	vst v1  }
0x3a: {  	v0 =	vld.idx.msk [tilespmem:v0+s4+$0x0], $0xffff;
	_ =	sdelay $0x5  }
0x3b: {  	v1 =	vld [tilespmem:s8+$0x186B0];
	[tilespmem:s0+$0x1B710] =	vst v0;
	s0 =	smov.u32 s8  }
0x3c: {  	v0 =	vld.idx.msk [tilespmem:v2+s4+$0x0], $0xffff;
	_ =	sdelay $0x5  }
0x3d: {  	[tilespmem:s0+$0x1B6A0] =	vst v0;
	v0 =	vld [tilespmem:s0+$0x186C0]  }
0x3e: {  	v1 =	vld.idx.msk [tilespmem:v1+s4+$0x0], $0xffff;
	_ =	sdelay $0x5  }
0x3f: {  	[tilespmem:s0+$0x1B6B0] =	vst v1;
	v1 =	vld [tilespmem:s0+$0x186D0]  }
0x40: {  	v0 =	vld.idx.msk [tilespmem:v0+s4+$0x0], $0xffff;
	_ =	sdelay $0x5  }
0x41: {  	[tilespmem:s0+$0x1B6C0] =	vst v0;
	v0 =	vld [tilespmem:s0+$0x186E0]  }
0x42: {  	v1 =	vld.idx.msk [tilespmem:v1+s4+$0x0], $0xffff;
	_ =	sdelay $0x5  }
0x43: {  	[tilespmem:s0+$0x1B6D0] =	vst v1;
	v1 =	vld [tilespmem:s0+$0x186F0]  }
0x44: {  	v0 =	vld.idx.msk [tilespmem:v0+s4+$0x0], $0xffff;
	_ =	sdelay $0x5  }
0x45: {  	[tilespmem:s0+$0x1B6E0] =	vst v0;
	v2 =	vld [tilespmem:s0+$0x18700]  }
0x46: {  	v0 =	vld.idx.msk [tilespmem:v1+s4+$0x0], $0xffff;
	_ =	sdelay $0x5  }
0x47: {  	[tilespmem:s0+$0x1B6F0] =	vst v0;
	v0 =	vld [tilespmem:s0+$0x18710]  }
0x48: {  	v1 =	vld.idx.msk [tilespmem:v2+s4+$0x0], $0xffff  }
.Ltmp0:
0x49: {  	(pc) =	sbr.rel @p1 .LBB2_3-.Ltmp0, $2  }
0x4a: {  	_ =	sdelay $0x2  }
0x4b: {  	s8 =	sshra.s32 s2, $0x2;
	s2 =	sadd.s32 $0x200, s2  }
0x4c: {  	_ =	sdelay $0x1  }
0x4d: {  	v2 =	vld [tilespmem:s8+$0x186A0]  }
0x4e: {  	[tilespmem:s0+$0x1B700] =	vst v1  }
0x4f: {  	v0 =	vld.idx.msk [tilespmem:v0+s4+$0x0], $0xffff;
	_ =	sdelay $0x3  }
0x50: {  	v1 =	vld [tilespmem:s8+$0x186B0]  }
0x51: {  	[tilespmem:s0+$0x1B710] =	vst v0  }
0x52: {  	v0 =	vld.idx.msk [tilespmem:v2+s4+$0x0], $0xffff;
	_ =	sdelay $0x4  }
0x53: {  	[tilespmem:s8+$0x1B6A0] =	vst v0;
	v0 =	vld [tilespmem:s8+$0x186C0]  }
0x54: {  	v1 =	vld.idx.msk [tilespmem:v1+s4+$0x0], $0xffff;
	_ =	sdelay $0x4  }
0x55: {  	[tilespmem:s8+$0x1B6B0] =	vst v1;
	v1 =	vld [tilespmem:s8+$0x186D0];
	_ =	sdelay $0x1  }
0x56: {  	v0 =	vld.idx.msk [tilespmem:v0+s4+$0x0], $0xffff;
	_ =	sdelay $0x4  }
0x57: {  	[tilespmem:s8+$0x1B6C0] =	vst v0;
	v0 =	vld [tilespmem:s8+$0x186E0]  }
0x58: {  	v1 =	vld.idx.msk [tilespmem:v1+s4+$0x0], $0xffff;
	_ =	sdelay $0x4  }
0x59: {  	[tilespmem:s8+$0x1B6D0] =	vst v1;
	v1 =	vld [tilespmem:s8+$0x186F0];
	_ =	sdelay $0x1  }
0x5a: {  	v0 =	vld.idx.msk [tilespmem:v0+s4+$0x0], $0xffff;
	_ =	sdelay $0x4  }
0x5b: {  	[tilespmem:s8+$0x1B6E0] =	vst v0;
	v0 =	vld [tilespmem:s8+$0x18700]  }
0x5c: {  	v1 =	vld.idx.msk [tilespmem:v1+s4+$0x0], $0xffff;
	_ =	sdelay $0x4  }
0x5d: {  	[tilespmem:s8+$0x1B6F0] =	vst v1;
	v1 =	vld [tilespmem:s8+$0x18710];
	_ =	sdelay $0x1  }
0x5e: {  	v0 =	vld.idx.msk [tilespmem:v0+s4+$0x0], $0xffff;
	_ =	sdelay $0x4  }
0x5f: {  	[tilespmem:s8+$0x1B700] =	vst v0  }
0x60: {  	v0 =	vld.idx.msk [tilespmem:v1+s4+$0x0], $0xffff;
	_ =	sdelay $0x1  }
0x61: {  	s31 =	sshll.u32 s31, $0x8  }
0x62: {  	s0 =	sadd.s32 s10, s31  }
0x63: {  	s0 =	sshrl.u32 s0, $0x3  }
0x64: {  	s0 =	sadd.s32 s3, s0;
	[tilespmem:s8+$0x1B710] =	vst v0  }
0x65: {  	[hbm4b:s0+s15] =	stream.strided.scatter [tilespmem:s21], [sflag:$0x3], $0x1800, s20, s15, $0x38;
	[tilespmem:$0x1E6A0] =	vst v63  }
0x66: {  	s0 =	sadd.s32 $0x60, s30  }
0x67: {  	s2 =	smov.u32 s5;
	p1 =	slt.s32 s0, s5  }
0x68: {  	s2 =	smov.u32 @p1 s0  }
0x69: {  	s0 =	sadd.s32 s6, s2  }
0x6a: {  	s0 =	sshll.u32 s0, $0x9  }
0x6b: {  	s0 =	sor.u32 s7, s0  }
0x6c: {  	s0 =	sshrl.u32 s0, $0x3  }
0x6d: {  	s0 =	sadd.s32 s1, s0  }
0x6e: {  	[tilespmem:s17], [sflag:$0x1] =	stream.strided.gather [hbm4b:s0+s15], $0x1800, s16, s15, $0x38;
	[tilespmem:$0x1E6A0] =	vst v63  }
0x6f: {  	_ =	swait.ge [sflag:s22], $0x1800  }
0x70: {  	[sflag:s22] =	ssyncset.done $0x0  }
0x71: {  	s0 =	simm.s32 @!p0 $0x4;
	[sflag:s22] =	ssyncadd.s32 $0xFFFFE800  }
0x72: {  	_ =	swait.ge @!p0 [sflag:s0], $0x1800  }
0x73: {  	[sflag:s0] =	ssyncset.done @!p0 $0x0  }
0x74: {  	[sflag:s0] =	ssyncadd.s32 @!p0 $0xFFFFE800;
	s0 =	simm.s32 $0x0  }
0x75: {  	v0 =	vld [tilespmem:s0+$0x19EA0];
	_ =	sdelay $0x5  }
0x76: {  	v1 =	vld [tilespmem:s0+$0x19EB0];
	_ =	sdelay $0x1  }
0x77: {  	v0 =	vld.idx.msk [tilespmem:v0+s4+$0x0], $0xffff;
	_ =	sdelay $0x4  }
0x78: {  	[tilespmem:s0+$0x1CEA0] =	vst v0;
	v0 =	vld [tilespmem:s0+$0x19EC0]  }
0x79: {  	v1 =	vld.idx.msk [tilespmem:v1+s4+$0x0], $0xffff;
	_ =	sdelay $0x4  }
0x7a: {  	[tilespmem:s0+$0x1CEB0] =	vst v1;
	v1 =	vld [tilespmem:s0+$0x19ED0];
	_ =	sdelay $0x1  }
0x7b: {  	v0 =	vld.idx.msk [tilespmem:v0+s4+$0x0], $0xffff;
	_ =	sdelay $0x4  }
0x7c: {  	[tilespmem:s0+$0x1CEC0] =	vst v0;
	v0 =	vld [tilespmem:s0+$0x19EE0]  }
0x7d: {  	v1 =	vld.idx.msk [tilespmem:v1+s4+$0x0], $0xffff;
	_ =	sdelay $0x4  }
0x7e: {  	[tilespmem:s0+$0x1CED0] =	vst v1;
	v1 =	vld [tilespmem:s0+$0x19EF0];
	_ =	sdelay $0x1  }
0x7f: {  	v0 =	vld.idx.msk [tilespmem:v0+s4+$0x0], $0xffff;
	_ =	sdelay $0x4  }
0x80: {  	v2 =	vld [tilespmem:s0+$0x19F00];
	[tilespmem:s0+$0x1CEE0] =	vst v0  }
0x81: {  	v0 =	vld.idx.msk [tilespmem:v1+s4+$0x0], $0xffff;
	_ =	sdelay $0x4  }
0x82: {  	[tilespmem:s0+$0x1CEF0] =	vst v0;
	v0 =	vld [tilespmem:s0+$0x19F10];
	_ =	sdelay $0x1  }
0x83: {  	v1 =	vld.idx.msk [tilespmem:v2+s4+$0x0], $0xffff;
	_ =	sdelay $0x3  }
0x84: {  	s8 =	simm.s32 $0x80;
	s2 =	simm.s32 $0x400  }
.LBB2_5:
0x85: {  	p0 =	sne.s32 s2, $0x5E00;
	v2 =	vld [tilespmem:s8+$0x19EA0];
	[tilespmem:s0+$0x1CF00] =	vst v1  }
0x86: {  	v0 =	vld.idx.msk [tilespmem:v0+s4+$0x0], $0xffff;
	_ =	sdelay $0x5  }
0x87: {  	v1 =	vld [tilespmem:s8+$0x19EB0];
	[tilespmem:s0+$0x1CF10] =	vst v0;
	s0 =	smov.u32 s8  }
0x88: {  	v0 =	vld.idx.msk [tilespmem:v2+s4+$0x0], $0xffff;
	_ =	sdelay $0x5  }
0x89: {  	[tilespmem:s0+$0x1CEA0] =	vst v0;
	v0 =	vld [tilespmem:s0+$0x19EC0]  }
0x8a: {  	v1 =	vld.idx.msk [tilespmem:v1+s4+$0x0], $0xffff;
	_ =	sdelay $0x5  }
0x8b: {  	[tilespmem:s0+$0x1CEB0] =	vst v1;
	v1 =	vld [tilespmem:s0+$0x19ED0]  }
0x8c: {  	v0 =	vld.idx.msk [tilespmem:v0+s4+$0x0], $0xffff;
	_ =	sdelay $0x5  }
0x8d: {  	[tilespmem:s0+$0x1CEC0] =	vst v0;
	v0 =	vld [tilespmem:s0+$0x19EE0]  }
0x8e: {  	v1 =	vld.idx.msk [tilespmem:v1+s4+$0x0], $0xffff;
	_ =	sdelay $0x5  }
0x8f: {  	[tilespmem:s0+$0x1CED0] =	vst v1;
	v1 =	vld [tilespmem:s0+$0x19EF0]  }
0x90: {  	v0 =	vld.idx.msk [tilespmem:v0+s4+$0x0], $0xffff;
	_ =	sdelay $0x5  }
0x91: {  	[tilespmem:s0+$0x1CEE0] =	vst v0;
	v2 =	vld [tilespmem:s0+$0x19F00]  }
0x92: {  	v0 =	vld.idx.msk [tilespmem:v1+s4+$0x0], $0xffff;
	_ =	sdelay $0x5  }
0x93: {  	[tilespmem:s0+$0x1CEF0] =	vst v0;
	v0 =	vld [tilespmem:s0+$0x19F10]  }
0x94: {  	v1 =	vld.idx.msk [tilespmem:v2+s4+$0x0], $0xffff  }
.Ltmp1:
0x95: {  	(pc) =	sbr.rel @p0 .LBB2_5-.Ltmp1, $2  }
0x96: {  	_ =	sdelay $0x2  }
0x97: {  	s8 =	sshra.s32 s2, $0x2;
	s2 =	sadd.s32 $0x200, s2  }
0x98: {  	_ =	sdelay $0x1  }
0x99: {  	v2 =	vld [tilespmem:s8+$0x19EA0]  }
0x9a: {  	[tilespmem:s0+$0x1CF00] =	vst v1  }
0x9b: {  	v0 =	vld.idx.msk [tilespmem:v0+s4+$0x0], $0xffff;
	_ =	sdelay $0x3  }
0x9c: {  	v1 =	vld [tilespmem:s8+$0x19EB0]  }
0x9d: {  	[tilespmem:s0+$0x1CF10] =	vst v0  }
0x9e: {  	v0 =	vld.idx.msk [tilespmem:v2+s4+$0x0], $0xffff;
	_ =	sdelay $0x3  }
0x9f: {  	v58 =	vld [tilespmem:s8+$0x19EC0]  }
0xa0: {  	[tilespmem:s8+$0x1CEA0] =	vst v0  }
0xa1: {  	v1 =	vld.idx.msk [tilespmem:v1+s4+$0x0], $0xffff;
	_ =	sdelay $0x3  }
0xa2: {  	v59 =	vld [tilespmem:s8+$0x19ED0]  }
0xa3: {  	[tilespmem:s8+$0x1CEB0] =	vst v1  }
0xa4: {  	v0 =	vld.idx.msk [tilespmem:v58+s4+$0x0], $0xffff;
	_ =	sdelay $0x3  }
0xa5: {  	v60 =	vld [tilespmem:s8+$0x19EE0]  }
0xa6: {  	[tilespmem:s8+$0x1CEC0] =	vst v0  }
0xa7: {  	v1 =	vld.idx.msk [tilespmem:v59+s4+$0x0], $0xffff;
	_ =	sdelay $0x3  }
0xa8: {  	v61 =	vld [tilespmem:s8+$0x19EF0]  }
0xa9: {  	[tilespmem:s8+$0x1CED0] =	vst v1  }
0xaa: {  	v0 =	vld.idx.msk [tilespmem:v60+s4+$0x0], $0xffff;
	_ =	sdelay $0x3  }
0xab: {  	v62 =	vld [tilespmem:s8+$0x19F00]  }
0xac: {  	[tilespmem:s8+$0x1CEE0] =	vst v0  }
0xad: {  	v1 =	vld.idx.msk [tilespmem:v61+s4+$0x0], $0xffff;
	_ =	sdelay $0x3  }
0xae: {  	v63 =	vld [tilespmem:s8+$0x19F10]  }
0xaf: {  	[tilespmem:s8+$0x1CEF0] =	vst v1  }
0xb0: {  	v0 =	vld.idx.msk [tilespmem:v62+s4+$0x0], $0xffff;
	_ =	sdelay $0x4  }
0xb1: {  	[tilespmem:s8+$0x1CF00] =	vst v0  }
0xb2: {  	s28 =	sadd.s32 $0x1, s28;
	v0 =	vld.idx.msk [tilespmem:v63+s4+$0x0], $0xffff  }
0xb3: {  	p0 =	sne.s32 s28, $0x10  }
.Ltmp2:
0xb4: {  	s31 =	sshll.u32 s29, $0x8;
	(pc) =	sbr.rel @p0 .LBB2_2-.Ltmp2, $4  }
0xb5: {  	s0 =	sadd.s32 s10, s31  }
0xb6: {  	s0 =	sshrl.u32 s0, $0x3  }
0xb7: {  	s0 =	sadd.s32 s3, s0;
	[tilespmem:s8+$0x1CF10] =	vst v0  }
0xb8: {  	[hbm4b:s0+s15] =	stream.strided.scatter [tilespmem:s23], [sflag:$0x4], $0x1800, s20, s15, $0x38;
	[tilespmem:$0x1E6A0] =	vst v63  }
0xb9: {  	_ =	swait.ge [sflag:s19], $0x1800  }
0xba: {  	[sflag:s19] =	ssyncset.done $0x0  }
0xbb: {  	[sflag:s19] =	ssyncadd.s32 $0xFFFFE800  }
0xbc: {  	_ =	swait.ge [sflag:s24], $0x1800  }
0xbd: {  	[sflag:s24] =	ssyncset.done $0x0  }
0xbe: {  	s0 =	simm.s32 $0x0;
	[sflag:s24] =	ssyncadd.s32 $0xFFFFE800  }
0xbf: {  	v0 =	vld [tilespmem:s0+$0x186A0];
	_ =	sdelay $0x5  }
0xc0: {  	v1 =	vld [tilespmem:s0+$0x186B0];
	_ =	sdelay $0x1  }
0xc1: {  	v0 =	vld.idx.msk [tilespmem:v0+s4+$0x0], $0xffff;
	_ =	sdelay $0x4  }
0xc2: {  	[tilespmem:s0+$0x1B6A0] =	vst v0;
	v0 =	vld [tilespmem:s0+$0x186C0]  }
0xc3: {  	v1 =	vld.idx.msk [tilespmem:v1+s4+$0x0], $0xffff;
	_ =	sdelay $0x4  }
0xc4: {  	[tilespmem:s0+$0x1B6B0] =	vst v1;
	v1 =	vld [tilespmem:s0+$0x186D0];
	_ =	sdelay $0x1  }
0xc5: {  	v0 =	vld.idx.msk [tilespmem:v0+s4+$0x0], $0xffff;
	_ =	sdelay $0x4  }
0xc6: {  	[tilespmem:s0+$0x1B6C0] =	vst v0;
	v0 =	vld [tilespmem:s0+$0x186E0]  }
0xc7: {  	v1 =	vld.idx.msk [tilespmem:v1+s4+$0x0], $0xffff;
	_ =	sdelay $0x4  }
0xc8: {  	[tilespmem:s0+$0x1B6D0] =	vst v1;
	v1 =	vld [tilespmem:s0+$0x186F0];
	_ =	sdelay $0x1  }
0xc9: {  	v0 =	vld.idx.msk [tilespmem:v0+s4+$0x0], $0xffff;
	_ =	sdelay $0x4  }
0xca: {  	v2 =	vld [tilespmem:s0+$0x18700];
	[tilespmem:s0+$0x1B6E0] =	vst v0  }
0xcb: {  	v0 =	vld.idx.msk [tilespmem:v1+s4+$0x0], $0xffff;
	_ =	sdelay $0x4  }
0xcc: {  	[tilespmem:s0+$0x1B6F0] =	vst v0;
	v0 =	vld [tilespmem:s0+$0x18710];
	_ =	sdelay $0x1  }
0xcd: {  	v1 =	vld.idx.msk [tilespmem:v2+s4+$0x0], $0xffff;
	_ =	sdelay $0x3  }
0xce: {  	s8 =	simm.s32 $0x80;
	s2 =	simm.s32 $0x400  }
.LBB2_8:
0xcf: {  	p0 =	sne.s32 s2, $0x5E00;
	v2 =	vld [tilespmem:s8+$0x186A0];
	[tilespmem:s0+$0x1B700] =	vst v1  }
0xd0: {  	v0 =	vld.idx.msk [tilespmem:v0+s4+$0x0], $0xffff;
	_ =	sdelay $0x5  }
0xd1: {  	v1 =	vld [tilespmem:s8+$0x186B0];
	[tilespmem:s0+$0x1B710] =	vst v0;
	s0 =	smov.u32 s8  }
0xd2: {  	v0 =	vld.idx.msk [tilespmem:v2+s4+$0x0], $0xffff;
	_ =	sdelay $0x5  }
0xd3: {  	[tilespmem:s0+$0x1B6A0] =	vst v0;
	v0 =	vld [tilespmem:s0+$0x186C0]  }
0xd4: {  	v1 =	vld.idx.msk [tilespmem:v1+s4+$0x0], $0xffff;
	_ =	sdelay $0x5  }
0xd5: {  	[tilespmem:s0+$0x1B6B0] =	vst v1;
	v1 =	vld [tilespmem:s0+$0x186D0]  }
0xd6: {  	v0 =	vld.idx.msk [tilespmem:v0+s4+$0x0], $0xffff;
	_ =	sdelay $0x5  }
0xd7: {  	[tilespmem:s0+$0x1B6C0] =	vst v0;
	v0 =	vld [tilespmem:s0+$0x186E0]  }
0xd8: {  	v1 =	vld.idx.msk [tilespmem:v1+s4+$0x0], $0xffff;
	_ =	sdelay $0x5  }
0xd9: {  	[tilespmem:s0+$0x1B6D0] =	vst v1;
	v1 =	vld [tilespmem:s0+$0x186F0]  }
0xda: {  	v0 =	vld.idx.msk [tilespmem:v0+s4+$0x0], $0xffff;
	_ =	sdelay $0x5  }
0xdb: {  	[tilespmem:s0+$0x1B6E0] =	vst v0;
	v2 =	vld [tilespmem:s0+$0x18700]  }
0xdc: {  	v0 =	vld.idx.msk [tilespmem:v1+s4+$0x0], $0xffff;
	_ =	sdelay $0x5  }
0xdd: {  	[tilespmem:s0+$0x1B6F0] =	vst v0;
	v0 =	vld [tilespmem:s0+$0x18710]  }
0xde: {  	v1 =	vld.idx.msk [tilespmem:v2+s4+$0x0], $0xffff  }
.Ltmp3:
0xdf: {  	(pc) =	sbr.rel @p0 .LBB2_8-.Ltmp3, $2  }
0xe0: {  	_ =	sdelay $0x2  }
0xe1: {  	s8 =	sshra.s32 s2, $0x2;
	s2 =	sadd.s32 $0x200, s2  }
0xe2: {  	_ =	sdelay $0x1  }
0xe3: {  	v2 =	vld [tilespmem:s8+$0x186A0]  }
0xe4: {  	[tilespmem:s0+$0x1B700] =	vst v1  }
0xe5: {  	v0 =	vld.idx.msk [tilespmem:v0+s4+$0x0], $0xffff;
	_ =	sdelay $0x3  }
0xe6: {  	v1 =	vld [tilespmem:s8+$0x186B0]  }
0xe7: {  	[tilespmem:s0+$0x1B710] =	vst v0  }
0xe8: {  	v0 =	vld.idx.msk [tilespmem:v2+s4+$0x0], $0xffff;
	_ =	sdelay $0x3  }
0xe9: {  	v58 =	vld [tilespmem:s8+$0x186C0]  }
0xea: {  	[tilespmem:s8+$0x1B6A0] =	vst v0  }
0xeb: {  	v1 =	vld.idx.msk [tilespmem:v1+s4+$0x0], $0xffff;
	_ =	sdelay $0x3  }
0xec: {  	v59 =	vld [tilespmem:s8+$0x186D0]  }
0xed: {  	[tilespmem:s8+$0x1B6B0] =	vst v1  }
0xee: {  	v0 =	vld.idx.msk [tilespmem:v58+s4+$0x0], $0xffff;
	_ =	sdelay $0x3  }
0xef: {  	v60 =	vld [tilespmem:s8+$0x186E0]  }
0xf0: {  	[tilespmem:s8+$0x1B6C0] =	vst v0  }
0xf1: {  	v1 =	vld.idx.msk [tilespmem:v59+s4+$0x0], $0xffff;
	_ =	sdelay $0x3  }
0xf2: {  	v61 =	vld [tilespmem:s8+$0x186F0]  }
0xf3: {  	[tilespmem:s8+$0x1B6D0] =	vst v1  }
0xf4: {  	v0 =	vld.idx.msk [tilespmem:v60+s4+$0x0], $0xffff;
	_ =	sdelay $0x3  }
0xf5: {  	v62 =	vld [tilespmem:s8+$0x18700]  }
0xf6: {  	[tilespmem:s8+$0x1B6E0] =	vst v0  }
0xf7: {  	v1 =	vld.idx.msk [tilespmem:v61+s4+$0x0], $0xffff;
	_ =	sdelay $0x3  }
0xf8: {  	v63 =	vld [tilespmem:s8+$0x18710]  }
0xf9: {  	[tilespmem:s8+$0x1B6F0] =	vst v1  }
0xfa: {  	v0 =	vld.idx.msk [tilespmem:v62+s4+$0x0], $0xffff;
	_ =	sdelay $0x4  }
0xfb: {  	[tilespmem:s8+$0x1B700] =	vst v0  }
0xfc: {  	v0 =	vld.idx.msk [tilespmem:v63+s4+$0x0], $0xffff;
	_ =	sdelay $0x4  }
0xfd: {  	s26 =	sadd.s32 $0x1, s26;
	[tilespmem:s8+$0x1B710] =	vst v0  }
0xfe: {  	[hbm4b:s11+s15] =	stream.strided.scatter [tilespmem:s21], [sflag:$0x3], $0x1800, s20, s15, $0x38;
	[tilespmem:$0x1E6A0] =	vst v63  }
0xff: {  	p0 =	sne.s32 s26, s12;
	_ =	swait.ge [sflag:s25], $0x1800  }
.Ltmp4:
0x100: {  	[sflag:s25] =	ssyncset.done $0x0;
	(pc) =	sbr.rel @p0 .LBB2_1-.Ltmp4, $4  }
0x101: {  	[sflag:s25] =	ssyncadd.s32 $0xFFFFE800  }
0x102: {  	_ =	swait.ge [sflag:s24], $0x1800  }
0x103: {  	[sflag:s24] =	ssyncset.done $0x0  }
0x104: {  	[sflag:s24] =	ssyncadd.s32 $0xFFFFE800  }
0x105: {  	_ =	sfence.sel $0x180000  }
0x106: {  	[bflag:$0x0] =	sbarrier.arrive $0xFFFF  }
0x107: {  	_ =	strace $0x90000047  }
0x108: {  	s0 =	stileid.u32;
	[bflag:$0x2] =	sbarrier.arrive $0xFFFF  }
0x109: {  	p0 =	sne.s32 s0, $0x0;
	s0 =	rddreg [dreg:$0x3]  }
0x10a: {  	s0 =	sadd.s32 @!p0 $0x100000, s0  }
0x10b: {  	[sflag:s0] =	ssyncadd.tile.s32 @!p0 $0x1;
	_ =	shalt  }
.Lfunc_end2:
_tile_overlayer_lowered:
.L_overlay_start_2:
0x10c: {  	(tag) =	ssettag $0x2  }
0x10d: {  	s0 =	rddreg [dreg:$0x0];
	s2 =	stileid.u32  }
0x10e: {  	s1 =	rddreg [dreg:$0x1];
	p0 =	sne.s32 s2, $0x0  }
0x10f: {  	s3 =	rddreg [dreg:$0x2];
	[bflag:$0x3] =	sbarrier.arrive $0xFFFF;
	s2 =	simm.s32 @!p0 $0x1C05  }
0x110: {  	[timem:s3], [sflag:s2] =	dma.local @!p0 [hbm:s0], s1  }
0x111: {  	s0 =	simm.s32 @!p0 $0x5  }
0x112: {  	_ =	swait.ge @!p0 [sflag:s0], s1  }
0x113: {  	s1 =	ssub.s32 @!p0 $0x0, s1;
	[sflag:s0] =	ssyncset.done @!p0 $0x0  }
0x114: {  	[sflag:s0] =	ssyncadd.s32 @!p0 s1  }
0x115: {  	[bflag:$0x3] =	sbarrier.arrive $0xFFFF  }
0x116: {  	_ =	shalt  }

</sc_bundles>
